<compile_context>
chip_gen: v7x
topology: tpu7x:2x2x1
jax: 0.10.2.dev20260603
libtpu: 0.0.44.dev20260713+nightly
codegen_flags: <defaults>
</compile_context>

<pallas_src>
import functools

import jax
import jax.numpy as jnp
from jax import lax
from jax.experimental import pallas as pl
from jax.experimental.pallas import tpu as pltpu
from jax.experimental.pallas import tpu_sc as plsc

N_NODES = 10000
NUM_EDGES = 320000
NC = 2
NS = 16
NW = NC * NS
CHUNK = 128
CH0 = 56
CH1 = 104
NCHUNKS = CH0 + CH1
TOT_CHUNKS = NS * NCHUNKS
E_PAD = TOT_CHUNKS * CHUNK
DEG_NCH = TOT_CHUNKS // NW
ACC_ROWS = N_NODES + 112
RPS = ACC_ROWS // NS
BN = 1000
GRID = N_NODES // BN



def _make_sc_agg(feat):
  mesh = plsc.VectorSubcoreMesh(core_axis_name="c", subcore_axis_name="s")

  @functools.partial(
      pl.kernel,
      out_type=jax.ShapeDtypeStruct((NC, ACC_ROWS, feat), jnp.float32),
      mesh=mesh,
      scratch_types=[
          pltpu.VMEM((max(CH0, CH1), CHUNK), jnp.int32),
          pltpu.VMEM((max(CH0, CH1), CHUNK), jnp.int32),
          pltpu.VMEM((CHUNK, feat), jnp.float32),
          pltpu.VMEM_SHARED((ACC_ROWS, feat), jnp.float32),
          pltpu.SemaphoreType.DMA,
      ],
  )
  def sc_agg(g_hbm, src_hbm, dst_hbm, zeros_hbm, out_hbm,
             src_v, dst_v, rows_v, acc_sh, sem):
    cid = lax.axis_index("c")
    sid = lax.axis_index("s")
    pltpu.sync_copy(zeros_hbm.at[pl.ds(sid * RPS, RPS)],
                    acc_sh.at[pl.ds(sid * RPS, RPS)])

    def run(base, nch):
      pltpu.sync_copy(src_hbm.at[pl.ds(base, nch)], src_v.at[pl.ds(0, nch)])
      pltpu.sync_copy(dst_hbm.at[pl.ds(base, nch)], dst_v.at[pl.ds(0, nch)])
      plsc.subcore_barrier()

      @pl.loop(0, nch)
      def _(i):
        pltpu.async_copy(g_hbm.at[src_v.at[i]], rows_v, sem).wait()
        pltpu.sync_copy(rows_v, acc_sh.at[dst_v.at[i]], add=True)

      plsc.subcore_barrier()

    @pl.when(cid == 0)
    def _():
      run(sid * CH0, CH0)

    @pl.when(cid == 1)
    def _():
      run(NS * CH0 + sid * CH1, CH1)

    pltpu.sync_copy(acc_sh.at[pl.ds(sid * RPS, RPS)],
                    out_hbm.at[cid, pl.ds(sid * RPS, RPS)])

  return sc_agg


_sc_agg128 = _make_sc_agg(128)

_DEG_W = 16


def _make_sc_deg():
  mesh = plsc.VectorSubcoreMesh(core_axis_name="c", subcore_axis_name="s")

  @functools.partial(
      pl.kernel,
      out_type=jax.ShapeDtypeStruct((NC, ACC_ROWS, _DEG_W), jnp.float32),
      mesh=mesh,
      scratch_types=[
          pltpu.VMEM((DEG_NCH, CHUNK), jnp.int32),
          pltpu.VMEM((CHUNK, _DEG_W), jnp.float32),
          pltpu.VMEM_SHARED((ACC_ROWS, _DEG_W), jnp.float32),
      ],
  )
  def sc_deg(dst_hbm, zeros_hbm, out_hbm, dst_v, ones_v, acc_sh):
    cid = lax.axis_index("c")
    sid = lax.axis_index("s")
    wid = sid * NC + cid
    pltpu.sync_copy(zeros_hbm.at[pl.ds(sid * RPS, RPS)],
                    acc_sh.at[pl.ds(sid * RPS, RPS)])
    pltpu.sync_copy(dst_hbm.at[pl.ds(wid * DEG_NCH, DEG_NCH)], dst_v)

    @pl.loop(0, CHUNK)
    def _(r):
      ones_v[r] = jnp.ones((_DEG_W,), jnp.float32)

    plsc.subcore_barrier()

    @pl.loop(0, DEG_NCH)
    def _(i):
      pltpu.sync_copy(ones_v, acc_sh.at[dst_v.at[i]], add=True)

    plsc.subcore_barrier()
    pltpu.sync_copy(acc_sh.at[pl.ds(sid * RPS, RPS)],
                    out_hbm.at[cid, pl.ds(sid * RPS, RPS)])

  return sc_deg


_sc_deg = _make_sc_deg()



def _tc1_body(x_ref, w_ref, degp_ref, g_ref, dinv_ref):
  deg = degp_ref[0, :, 0:1] + degp_ref[1, :, 0:1] + 1.0
  dinv = lax.rsqrt(deg)
  g_ref[...] = dinv * jnp.dot(x_ref[...], w_ref[...],
                              preferred_element_type=jnp.float32)
  dinv_ref[...] = dinv


def _tc1(x, w1, degp):
  return pl.pallas_call(
      _tc1_body,
      grid=(GRID,),
      in_specs=[
          pl.BlockSpec((BN, 128), lambda i: (i, 0)),
          pl.BlockSpec((128, 128), lambda i: (0, 0)),
          pl.BlockSpec((NC, BN, _DEG_W), lambda i: (0, i, 0)),
      ],
      out_specs=[
          pl.BlockSpec((BN, 128), lambda i: (i, 0)),
          pl.BlockSpec((BN, 1), lambda i: (i, 0)),
      ],
      out_shape=[
          jax.ShapeDtypeStruct((N_NODES, 128), jnp.float32),
          jax.ShapeDtypeStruct((N_NODES, 1), jnp.float32),
      ],
  )(x, w1, degp)


def _tc_mid_body(p_ref, g_ref, dinv_ref, b_ref, w_ref, out_ref):
  dinv = dinv_ref[...]
  h = p_ref[0] + p_ref[1] + g_ref[...]
  h = jnp.maximum(dinv * h + b_ref[...], 0.0)
  out_ref[...] = dinv * jnp.dot(h, w_ref[...],
                                preferred_element_type=jnp.float32)


def _tc_mid(p, g, dinv, b, w, fout):
  return pl.pallas_call(
      _tc_mid_body,
      grid=(GRID,),
      in_specs=[
          pl.BlockSpec((NC, BN, 128), lambda i: (0, i, 0)),
          pl.BlockSpec((BN, 128), lambda i: (i, 0)),
          pl.BlockSpec((BN, 1), lambda i: (i, 0)),
          pl.BlockSpec((1, 128), lambda i: (0, 0)),
          pl.BlockSpec((128, fout), lambda i: (0, 0)),
      ],
      out_specs=pl.BlockSpec((BN, fout), lambda i: (i, 0)),
      out_shape=jax.ShapeDtypeStruct((N_NODES, fout), jnp.float32),
  )(p, g, dinv, b, w)


def _tc_q3_body(p_ref, g_ref, dinv_ref, b_ref, q_ref):
  dinv = dinv_ref[...]
  h = p_ref[0] + p_ref[1] + g_ref[...]
  q_ref[...] = dinv * jnp.maximum(dinv * h + b_ref[...], 0.0)


def _tc_q3(p, g, dinv, b):
  return pl.pallas_call(
      _tc_q3_body,
      grid=(GRID,),
      in_specs=[
          pl.BlockSpec((NC, BN, 128), lambda i: (0, i, 0)),
          pl.BlockSpec((BN, 128), lambda i: (i, 0)),
          pl.BlockSpec((BN, 1), lambda i: (i, 0)),
          pl.BlockSpec((1, 128), lambda i: (0, 0)),
      ],
      out_specs=pl.BlockSpec((BN, 128), lambda i: (i, 0)),
      out_shape=jax.ShapeDtypeStruct((N_NODES, 128), jnp.float32),
  )(p, g, dinv, b)


def _tc_final_body(p_ref, q_ref, dinv_ref, b_ref, w_ref, out_ref):
  h = dinv_ref[...] * (p_ref[0] + p_ref[1] + q_ref[...])
  out_ref[...] = jnp.dot(h, w_ref[...],
                         preferred_element_type=jnp.float32) + b_ref[...]


def _tc_final(p, q, dinv, b, w):
  return pl.pallas_call(
      _tc_final_body,
      grid=(GRID,),
      in_specs=[
          pl.BlockSpec((NC, BN, 128), lambda i: (0, i, 0)),
          pl.BlockSpec((BN, 128), lambda i: (i, 0)),
          pl.BlockSpec((BN, 1), lambda i: (i, 0)),
          pl.BlockSpec((1, 64), lambda i: (0, 0)),
          pl.BlockSpec((128, 64), lambda i: (0, 0)),
      ],
      out_specs=pl.BlockSpec((BN, 64), lambda i: (i, 0)),
      out_shape=jax.ShapeDtypeStruct((N_NODES, 64), jnp.float32),
  )(p, q, dinv, b, w)



def kernel(x, edge_index, W1, b1, W2, b2, W3, b3):
  pad = E_PAD - NUM_EDGES
  src = jnp.concatenate(
      [edge_index[0], jnp.zeros((pad,), jnp.int32)]
  ).reshape(TOT_CHUNKS, CHUNK)
  dst = jnp.concatenate(
      [edge_index[1], jnp.full((pad,), N_NODES, jnp.int32)]
  ).reshape(TOT_CHUNKS, CHUNK)

  zeros_deg = jnp.zeros((ACC_ROWS, _DEG_W), jnp.float32)
  zeros128 = jnp.zeros((ACC_ROWS, 128), jnp.float32)

  degp = _sc_deg(dst, zeros_deg)
  g1, dinv = _tc1(x, W1, degp)
  p1 = _sc_agg128(g1, src, dst, zeros128)
  g2 = _tc_mid(p1, g1, dinv, b1.reshape(1, -1), W2, 128)
  p2 = _sc_agg128(g2, src, dst, zeros128)
  q3 = _tc_q3(p2, g2, dinv, b2.reshape(1, -1))
  p3 = _sc_agg128(q3, src, dst, zeros128)
  return _tc_final(p3, q3, dinv, b3.reshape(1, -1), W3)

# --- scband reference (transcript-rebuilt; emitter-appended) ---
"""Pipeline reference for scband-gcn-15985868276092 (READ-ONLY COPY).

The authoritative reference and input builder live on the scoring server;
editing this copy changes nothing except your own understanding.
"""

import jax, jax.numpy as jnp
import numpy as np

N = 10000
E = 320000
NFEAT = 128
NHID = 128
NCLASS = 64


def setup_inputs(seed: int = 0) -> dict:
    key = jax.random.key(seed)
    ks = jax.random.split(key, 8)
    x = jax.random.normal(ks[0], (N, NFEAT), dtype=jnp.float32)
    edge_index = jax.random.randint(ks[1], (2, E), 0, N, dtype=jnp.int32)
    # GCNConv parameters (glorot-style scaling), 3 layers: nfeat->nhid->nhid->nclass
    W1 = jax.random.normal(ks[2], (NFEAT, NHID), dtype=jnp.float32) * (1.0 / np.sqrt(NFEAT))
    b1 = jnp.zeros((NHID,), dtype=jnp.float32)
    W2 = jax.random.normal(ks[3], (NHID, NHID), dtype=jnp.float32) * (1.0 / np.sqrt(NHID))
    b2 = jnp.zeros((NHID,), dtype=jnp.float32)
    W3 = jax.random.normal(ks[4], (NHID, NCLASS), dtype=jnp.float32) * (1.0 / np.sqrt(NHID))
    b3 = jnp.zeros((NCLASS,), dtype=jnp.float32)
    return {"x": x, "edge_index": edge_index, "W1": W1, "b1": b1, "W2": W2, "b2": b2, "W3": W3, "b3": b3}


def gcn_norm(edge_index, num_nodes, dtype):
    # Add self-loops, then symmetric normalization D^{-1/2} (A+I) D^{-1/2}
    loop = jnp.arange(num_nodes, dtype=edge_index.dtype)
    src = jnp.concatenate([edge_index[0], loop])
    dst = jnp.concatenate([edge_index[1], loop])
    w = jnp.ones(src.shape[0], dtype=dtype)
    deg = jax.ops.segment_sum(w, dst, num_segments=num_nodes)
    dinv = jnp.where(deg > 0, 1.0 / jnp.sqrt(deg), 0.0)
    norm = dinv[src] * w * dinv[dst]
    return src, dst, norm


def gcn_conv(x, src, dst, norm, W, b):
    h = x @ W
    msg = h[src] * norm[:, None]
    out = jax.ops.segment_sum(msg, dst, num_segments=x.shape[0])
    return out + b


def reference(x, edge_index, W1, b1, W2, b2, W3, b3):
    # normalization is cached=True in the torch module: compute once, reuse for all layers
    src, dst, norm = gcn_norm(edge_index, x.shape[0], x.dtype)
    h = jax.nn.relu(gcn_conv(x, src, dst, norm, W1, b1))   # dropout p=0.0 -> identity
    h = jax.nn.relu(gcn_conv(h, src, dst, norm, W2, b2))
    out = gcn_conv(h, src, dst, norm, W3, b3)
    return out

if __name__ == "__main__":
    import jax
    _d = setup_inputs()
    print(jax.jit(kernel)(*tuple(_d.values())))

</pallas_src>

<mosaic_0001>
#map = affine_map<(d0, d1) -> (0, 0)>
#map1 = affine_map<(d0, d1) -> (0, 0, 0)>
module attributes {stable_mosaic.version = 14 : i64} {
  func.func @sc_agg(%arg0: i32, %arg1: i32, %arg2: memref<10000x128xf32, #tpu.memory_space<hbm>>, %arg3: memref<2560x128xi32, #tpu.memory_space<hbm>>, %arg4: memref<2560x128xi32, #tpu.memory_space<hbm>>, %arg5: memref<10112x128xf32, #tpu.memory_space<hbm>>, %arg6: memref<2x10112x128xf32, #tpu.memory_space<hbm>>, %arg7: memref<104x128xi32, #tpu.memory_space<vmem>>, %arg8: memref<104x128xi32, #tpu.memory_space<vmem>>, %arg9: memref<128x128xf32, #tpu.memory_space<vmem>>, %arg10: memref<10112x128xf32, #tpu.memory_space<vmem_shared>>, %arg11: memref<!tpu.dma_semaphore, #tpu.memory_space<semaphore_mem>>) attributes {dimension_semantics = [#tpu.dimension_semantics<core_parallel>, #tpu.dimension_semantics<subcore_parallel>], iteration_bounds = array<i64: 2, 16>, scalar_prefetch = 0 : i64, scratch_operands = 5 : i64, tpu.core_type = #tpu.core_type<sc_vector_subcore>, window_params = [{transform_indices = #map}, {transform_indices = #map}, {transform_indices = #map}, {transform_indices = #map}, {transform_indices = #map1}]} {
    %mul3A = arith.constant 632 : i32
    %mul3A_0 = arith.muli %arg1, %mul3A : i32
    %mul3A_1 = arith.constant 632 : i32
    %mul3A_2 = arith.muli %arg1, %mul3A_1 : i32
    "tpu.region"() ({
      %run_scoped3A = tpu.sem_alloc : memref<!tpu.dma_semaphore, #tpu.memory_space<semaphore_mem>>
      %dma_start3A = arith.constant 0 : i32
      %dma_start3A_14 = tpu.memref_slice %arg10[%mul3A_2, %dma_start3A] : memref<10112x128xf32, #tpu.memory_space<vmem_shared>> -> memref<632x128xf32, #tpu.memory_space<vmem_shared>>
      %dma_start3A_15 = arith.constant 0 : i32
      %dma_start3A_16 = tpu.memref_slice %arg5[%mul3A_0, %dma_start3A_15] : memref<10112x128xf32, #tpu.memory_space<hbm>> -> memref<632x128xf32, #tpu.memory_space<hbm>>
      tpu.enqueue_dma source(%dma_start3A_16 : memref<632x128xf32, #tpu.memory_space<hbm>>) target(%dma_start3A_14 : memref<632x128xf32, #tpu.memory_space<vmem_shared>>) target_semaphore(%run_scoped3A : memref<!tpu.dma_semaphore, #tpu.memory_space<semaphore_mem>>)
      %dma_wait3A = arith.constant 0 : i32
      %dma_wait3A_17 = tpu.memref_slice %arg10[%mul3A_2, %dma_wait3A] : memref<10112x128xf32, #tpu.memory_space<vmem_shared>> -> memref<632x128xf32, #tpu.memory_space<vmem_shared>>
      %dma_wait3A_18 = arith.constant 0 : i32
      %dma_wait3A_19 = tpu.memref_slice %arg5[%mul3A_0, %dma_wait3A_18] : memref<10112x128xf32, #tpu.memory_space<hbm>> -> memref<632x128xf32, #tpu.memory_space<hbm>>
      tpu.wait_dma2 semaphore(%run_scoped3A : memref<!tpu.dma_semaphore, #tpu.memory_space<semaphore_mem>>) src(%dma_wait3A_19 : memref<632x128xf32, #tpu.memory_space<hbm>>) dst(%dma_wait3A_17 : memref<632x128xf32, #tpu.memory_space<vmem_shared>>)
      tpu.yield
    }) : () -> ()
    %eq3A = arith.constant 0 : i32
    %eq3A_3 = arith.cmpi eq, %arg0, %eq3A : i32
    %convert_element_type3A = arith.extui %eq3A_3 : i1 to i32
    %cond3A = arith.constant 0 : i32
    %cond3A_4 = arith.cmpi ne, %convert_element_type3A, %cond3A : i32
    scf.if %cond3A_4 {
      %mul3A_14 = arith.constant 56 : i32
      %mul3A_15 = arith.muli %arg1, %mul3A_14 : i32
      "tpu.region"() ({
        %run_scoped3A = tpu.sem_alloc : memref<!tpu.dma_semaphore, #tpu.memory_space<semaphore_mem>>
        %dma_start3A = arith.constant 0 : i32
        %dma_start3A_21 = arith.constant 0 : i32
        %dma_start3A_22 = tpu.memref_slice %arg7[%dma_start3A, %dma_start3A_21] : memref<104x128xi32, #tpu.memory_space<vmem>> -> memref<56x128xi32, #tpu.memory_space<vmem>>
        %dma_start3A_23 = arith.constant 0 : i32
        %dma_start3A_24 = tpu.memref_slice %arg3[%mul3A_15, %dma_start3A_23] : memref<2560x128xi32, #tpu.memory_space<hbm>> -> memref<56x128xi32, #tpu.memory_space<hbm>>
        %dma_start3A_25 = arith.constant 0 : i32
        %dma_start3A_26 = arith.constant 0 : i32
        %dma_start3A_27 = tpu.memref_slice %arg7[%dma_start3A_25, %dma_start3A_26] : memref<104x128xi32, #tpu.memory_space<vmem>> -> memref<56x128xi32, #tpu.memory_space<vmem>>
        %dma_start3A_28 = arith.constant 0 : i32
        %dma_start3A_29 = tpu.memref_slice %arg3[%mul3A_15, %dma_start3A_28] : memref<2560x128xi32, #tpu.memory_space<hbm>> -> memref<56x128xi32, #tpu.memory_space<hbm>>
        tpu.enqueue_dma source(%dma_start3A_29 : memref<56x128xi32, #tpu.memory_space<hbm>>) target(%dma_start3A_27 : memref<56x128xi32, #tpu.memory_space<vmem>>) target_semaphore(%run_scoped3A : memref<!tpu.dma_semaphore, #tpu.memory_space<semaphore_mem>>)
        %dma_wait3A = arith.constant 0 : i32
        %dma_wait3A_30 = arith.constant 0 : i32
        %dma_wait3A_31 = tpu.memref_slice %arg7[%dma_wait3A, %dma_wait3A_30] : memref<104x128xi32, #tpu.memory_space<vmem>> -> memref<56x128xi32, #tpu.memory_space<vmem>>
        %dma_wait3A_32 = arith.constant 0 : i32
        %dma_wait3A_33 = tpu.memref_slice %arg3[%mul3A_15, %dma_wait3A_32] : memref<2560x128xi32, #tpu.memory_space<hbm>> -> memref<56x128xi32, #tpu.memory_space<hbm>>
        %dma_wait3A_34 = arith.constant 0 : i32
        %dma_wait3A_35 = arith.constant 0 : i32
        %dma_wait3A_36 = tpu.memref_slice %arg7[%dma_wait3A_34, %dma_wait3A_35] : memref<104x128xi32, #tpu.memory_space<vmem>> -> memref<56x128xi32, #tpu.memory_space<vmem>>
        %dma_wait3A_37 = arith.constant 0 : i32
        %dma_wait3A_38 = tpu.memref_slice %arg3[%mul3A_15, %dma_wait3A_37] : memref<2560x128xi32, #tpu.memory_space<hbm>> -> memref<56x128xi32, #tpu.memory_space<hbm>>
        tpu.wait_dma2 semaphore(%run_scoped3A : memref<!tpu.dma_semaphore, #tpu.memory_space<semaphore_mem>>) src(%dma_wait3A_38 : memref<56x128xi32, #tpu.memory_space<hbm>>) dst(%dma_wait3A_36 : memref<56x128xi32, #tpu.memory_space<vmem>>)
        tpu.yield
      }) : () -> ()
      "tpu.region"() ({
        %run_scoped3A = tpu.sem_alloc : memref<!tpu.dma_semaphore, #tpu.memory_space<semaphore_mem>>
        %dma_start3A = arith.constant 0 : i32
        %dma_start3A_21 = arith.constant 0 : i32
        %dma_start3A_22 = tpu.memref_slice %arg8[%dma_start3A, %dma_start3A_21] : memref<104x128xi32, #tpu.memory_space<vmem>> -> memref<56x128xi32, #tpu.memory_space<vmem>>
        %dma_start3A_23 = arith.constant 0 : i32
        %dma_start3A_24 = tpu.memref_slice %arg4[%mul3A_15, %dma_start3A_23] : memref<2560x128xi32, #tpu.memory_space<hbm>> -> memref<56x128xi32, #tpu.memory_space<hbm>>
        %dma_start3A_25 = arith.constant 0 : i32
        %dma_start3A_26 = arith.constant 0 : i32
        %dma_start3A_27 = tpu.memref_slice %arg8[%dma_start3A_25, %dma_start3A_26] : memref<104x128xi32, #tpu.memory_space<vmem>> -> memref<56x128xi32, #tpu.memory_space<vmem>>
        %dma_start3A_28 = arith.constant 0 : i32
        %dma_start3A_29 = tpu.memref_slice %arg4[%mul3A_15, %dma_start3A_28] : memref<2560x128xi32, #tpu.memory_space<hbm>> -> memref<56x128xi32, #tpu.memory_space<hbm>>
        tpu.enqueue_dma source(%dma_start3A_29 : memref<56x128xi32, #tpu.memory_space<hbm>>) target(%dma_start3A_27 : memref<56x128xi32, #tpu.memory_space<vmem>>) target_semaphore(%run_scoped3A : memref<!tpu.dma_semaphore, #tpu.memory_space<semaphore_mem>>)
        %dma_wait3A = arith.constant 0 : i32
        %dma_wait3A_30 = arith.constant 0 : i32
        %dma_wait3A_31 = tpu.memref_slice %arg8[%dma_wait3A, %dma_wait3A_30] : memref<104x128xi32, #tpu.memory_space<vmem>> -> memref<56x128xi32, #tpu.memory_space<vmem>>
        %dma_wait3A_32 = arith.constant 0 : i32
        %dma_wait3A_33 = tpu.memref_slice %arg4[%mul3A_15, %dma_wait3A_32] : memref<2560x128xi32, #tpu.memory_space<hbm>> -> memref<56x128xi32, #tpu.memory_space<hbm>>
        %dma_wait3A_34 = arith.constant 0 : i32
        %dma_wait3A_35 = arith.constant 0 : i32
        %dma_wait3A_36 = tpu.memref_slice %arg8[%dma_wait3A_34, %dma_wait3A_35] : memref<104x128xi32, #tpu.memory_space<vmem>> -> memref<56x128xi32, #tpu.memory_space<vmem>>
        %dma_wait3A_37 = arith.constant 0 : i32
        %dma_wait3A_38 = tpu.memref_slice %arg4[%mul3A_15, %dma_wait3A_37] : memref<2560x128xi32, #tpu.memory_space<hbm>> -> memref<56x128xi32, #tpu.memory_space<hbm>>
        tpu.wait_dma2 semaphore(%run_scoped3A : memref<!tpu.dma_semaphore, #tpu.memory_space<semaphore_mem>>) src(%dma_wait3A_38 : memref<56x128xi32, #tpu.memory_space<hbm>>) dst(%dma_wait3A_36 : memref<56x128xi32, #tpu.memory_space<vmem>>)
        tpu.yield
      }) : () -> ()
      %barrier3A = arith.constant 0 : index
      tpu.barrier barrier_id(%barrier3A)
      %scan3A = arith.constant 0 : i32
      %scan3A_16 = arith.constant 56 : i32
      %scan3A_17 = arith.addi %scan3A, %scan3A_16 : i32
      %scan3A_18 = arith.constant 1 : i32
      scf.for %scan3A_21 = %scan3A to %scan3A_17 step %scan3A_18  : i32 {
        %mul3A_22 = arith.constant 1 : i32
        %mul3A_23 = arith.muli %scan3A_21, %mul3A_22 : i32
        %add3A = arith.constant 0 : i32
        %add3A_24 = arith.addi %add3A, %mul3A_23 : i32
        %dma_start3A = arith.constant 0 : i32
        %dma_start3A_25 = tpu.memref_slice %arg7[%add3A_24, %dma_start3A] : memref<104x128xi32, #tpu.memory_space<vmem>> -> memref<1x128xi32, #tpu.memory_space<vmem>>
        %dma_start3A_26 = tpu.memref_squeeze %dma_start3A_25 : memref<1x128xi32, #tpu.memory_space<vmem>> -> memref<128xi32, #tpu.memory_space<vmem>>
        %dma_start3A_27 = arith.constant 0 : i32
        %dma_start3A_28 = arith.constant 0 : i32
        %dma_start3A_29 = tpu.memref_slice %arg2[%dma_start3A_27, %dma_start3A_28] : memref<10000x128xf32, #tpu.memory_space<hbm>> -> memref<10000x128xf32, #tpu.memory_space<hbm>>
        tpu.enqueue_indirect_dma source(%dma_start3A_29 : memref<10000x128xf32, #tpu.memory_space<hbm>>) target(%arg9 : memref<128x128xf32, #tpu.memory_space<vmem>>) offsets(%dma_start3A_26 : memref<128xi32, #tpu.memory_space<vmem>>) semaphore(%arg11 : memref<!tpu.dma_semaphore, #tpu.memory_space<semaphore_mem>>)
        %dma_wait3A = arith.constant 0 : i32
        %dma_wait3A_30 = tpu.memref_slice %arg7[%add3A_24, %dma_wait3A] : memref<104x128xi32, #tpu.memory_space<vmem>> -> memref<1x128xi32, #tpu.memory_space<vmem>>
        %dma_wait3A_31 = tpu.memref_squeeze %dma_wait3A_30 : memref<1x128xi32, #tpu.memory_space<vmem>> -> memref<128xi32, #tpu.memory_space<vmem>>
        %dma_wait3A_32 = arith.constant 0 : i32
        %dma_wait3A_33 = arith.constant 0 : i32
        %dma_wait3A_34 = tpu.memref_slice %arg2[%dma_wait3A_32, %dma_wait3A_33] : memref<10000x128xf32, #tpu.memory_space<hbm>> -> memref<10000x128xf32, #tpu.memory_space<hbm>>
        tpu.wait_indirect_dma semaphore(%arg11 : memref<!tpu.dma_semaphore, #tpu.memory_space<semaphore_mem>>) src(%dma_wait3A_34 : memref<10000x128xf32, #tpu.memory_space<hbm>>) dst(%arg9 : memref<128x128xf32, #tpu.memory_space<vmem>>)
        "tpu.region"() ({
          %run_scoped3A = tpu.sem_alloc : memref<!tpu.dma_semaphore, #tpu.memory_space<semaphore_mem>>
          %dma_start3A_35 = arith.constant 0 : i32
          %dma_start3A_36 = tpu.memref_slice %arg8[%add3A_24, %dma_start3A_35] : memref<104x128xi32, #tpu.memory_space<vmem>> -> memref<1x128xi32, #tpu.memory_space<vmem>>
          %dma_start3A_37 = tpu.memref_squeeze %dma_start3A_36 : memref<1x128xi32, #tpu.memory_space<vmem>> -> memref<128xi32, #tpu.memory_space<vmem>>
          %dma_start3A_38 = arith.constant 0 : i32
          %dma_start3A_39 = arith.constant 0 : i32
          %dma_start3A_40 = tpu.memref_slice %arg10[%dma_start3A_38, %dma_start3A_39] : memref<10112x128xf32, #tpu.memory_space<vmem_shared>> -> memref<10112x128xf32, #tpu.memory_space<vmem_shared>>
          tpu.enqueue_indirect_dma source(%arg9 : memref<128x128xf32, #tpu.memory_space<vmem>>) target(%dma_start3A_40 : memref<10112x128xf32, #tpu.memory_space<vmem_shared>>) offsets(%dma_start3A_37 : memref<128xi32, #tpu.memory_space<vmem>>) semaphore(%run_scoped3A : memref<!tpu.dma_semaphore, #tpu.memory_space<semaphore_mem>>) {add = true}
          %dma_wait3A_41 = arith.constant 0 : i32
          %dma_wait3A_42 = tpu.memref_slice %arg8[%add3A_24, %dma_wait3A_41] : memref<104x128xi32, #tpu.memory_space<vmem>> -> memref<1x128xi32, #tpu.memory_space<vmem>>
          %dma_wait3A_43 = tpu.memref_squeeze %dma_wait3A_42 : memref<1x128xi32, #tpu.memory_space<vmem>> -> memref<128xi32, #tpu.memory_space<vmem>>
          %dma_wait3A_44 = arith.constant 0 : i32
          %dma_wait3A_45 = arith.constant 0 : i32
          %dma_wait3A_46 = tpu.memref_slice %arg10[%dma_wait3A_44, %dma_wait3A_45] : memref<10112x128xf32, #tpu.memory_space<vmem_shared>> -> memref<10112x128xf32, #tpu.memory_space<vmem_shared>>
          tpu.wait_indirect_dma semaphore(%run_scoped3A : memref<!tpu.dma_semaphore, #tpu.memory_space<semaphore_mem>>) src(%arg9 : memref<128x128xf32, #tpu.memory_space<vmem>>) dst(%dma_wait3A_46 : memref<10112x128xf32, #tpu.memory_space<vmem_shared>>)
          tpu.yield
        }) : () -> ()
      }
      %scan3A_19 = arith.constant 56 : i32
      %barrier3A_20 = arith.constant 0 : index
      tpu.barrier barrier_id(%barrier3A_20)
    } else {
    }
    %eq3A_5 = arith.constant 1 : i32
    %eq3A_6 = arith.cmpi eq, %arg0, %eq3A_5 : i32
    %convert_element_type3A_7 = arith.extui %eq3A_6 : i1 to i32
    %cond3A_8 = arith.constant 0 : i32
    %cond3A_9 = arith.cmpi ne, %convert_element_type3A_7, %cond3A_8 : i32
    scf.if %cond3A_9 {
      %mul3A_14 = arith.constant 104 : i32
      %mul3A_15 = arith.muli %arg1, %mul3A_14 : i32
      %add3A = arith.constant 896 : i32
      %add3A_16 = arith.addi %add3A, %mul3A_15 : i32
      "tpu.region"() ({
        %run_scoped3A = tpu.sem_alloc : memref<!tpu.dma_semaphore, #tpu.memory_space<semaphore_mem>>
        %dma_start3A = arith.constant 0 : i32
        %dma_start3A_22 = arith.constant 0 : i32
        %dma_start3A_23 = tpu.memref_slice %arg7[%dma_start3A, %dma_start3A_22] : memref<104x128xi32, #tpu.memory_space<vmem>> -> memref<104x128xi32, #tpu.memory_space<vmem>>
        %dma_start3A_24 = arith.constant 0 : i32
        %dma_start3A_25 = tpu.memref_slice %arg3[%add3A_16, %dma_start3A_24] : memref<2560x128xi32, #tpu.memory_space<hbm>> -> memref<104x128xi32, #tpu.memory_space<hbm>>
        %dma_start3A_26 = arith.constant 0 : i32
        %dma_start3A_27 = arith.constant 0 : i32
        %dma_start3A_28 = tpu.memref_slice %arg7[%dma_start3A_26, %dma_start3A_27] : memref<104x128xi32, #tpu.memory_space<vmem>> -> memref<104x128xi32, #tpu.memory_space<vmem>>
        %dma_start3A_29 = arith.constant 0 : i32
        %dma_start3A_30 = tpu.memref_slice %arg3[%add3A_16, %dma_start3A_29] : memref<2560x128xi32, #tpu.memory_space<hbm>> -> memref<104x128xi32, #tpu.memory_space<hbm>>
        tpu.enqueue_dma source(%dma_start3A_30 : memref<104x128xi32, #tpu.memory_space<hbm>>) target(%dma_start3A_28 : memref<104x128xi32, #tpu.memory_space<vmem>>) target_semaphore(%run_scoped3A : memref<!tpu.dma_semaphore, #tpu.memory_space<semaphore_mem>>)
        %dma_wait3A = arith.constant 0 : i32
        %dma_wait3A_31 = arith.constant 0 : i32
        %dma_wait3A_32 = tpu.memref_slice %arg7[%dma_wait3A, %dma_wait3A_31] : memref<104x128xi32, #tpu.memory_space<vmem>> -> memref<104x128xi32, #tpu.memory_space<vmem>>
        %dma_wait3A_33 = arith.constant 0 : i32
        %dma_wait3A_34 = tpu.memref_slice %arg3[%add3A_16, %dma_wait3A_33] : memref<2560x128xi32, #tpu.memory_space<hbm>> -> memref<104x128xi32, #tpu.memory_space<hbm>>
        %dma_wait3A_35 = arith.constant 0 : i32
        %dma_wait3A_36 = arith.constant 0 : i32
        %dma_wait3A_37 = tpu.memref_slice %arg7[%dma_wait3A_35, %dma_wait3A_36] : memref<104x128xi32, #tpu.memory_space<vmem>> -> memref<104x128xi32, #tpu.memory_space<vmem>>
        %dma_wait3A_38 = arith.constant 0 : i32
        %dma_wait3A_39 = tpu.memref_slice %arg3[%add3A_16, %dma_wait3A_38] : memref<2560x128xi32, #tpu.memory_space<hbm>> -> memref<104x128xi32, #tpu.memory_space<hbm>>
        tpu.wait_dma2 semaphore(%run_scoped3A : memref<!tpu.dma_semaphore, #tpu.memory_space<semaphore_mem>>) src(%dma_wait3A_39 : memref<104x128xi32, #tpu.memory_space<hbm>>) dst(%dma_wait3A_37 : memref<104x128xi32, #tpu.memory_space<vmem>>)
        tpu.yield
      }) : () -> ()
      "tpu.region"() ({
        %run_scoped3A = tpu.sem_alloc : memref<!tpu.dma_semaphore, #tpu.memory_space<semaphore_mem>>
        %dma_start3A = arith.constant 0 : i32
        %dma_start3A_22 = arith.constant 0 : i32
        %dma_start3A_23 = tpu.memref_slice %arg8[%dma_start3A, %dma_start3A_22] : memref<104x128xi32, #tpu.memory_space<vmem>> -> memref<104x128xi32, #tpu.memory_space<vmem>>
        %dma_start3A_24 = arith.constant 0 : i32
        %dma_start3A_25 = tpu.memref_slice %arg4[%add3A_16, %dma_start3A_24] : memref<2560x128xi32, #tpu.memory_space<hbm>> -> memref<104x128xi32, #tpu.memory_space<hbm>>
        %dma_start3A_26 = arith.constant 0 : i32
        %dma_start3A_27 = arith.constant 0 : i32
        %dma_start3A_28 = tpu.memref_slice %arg8[%dma_start3A_26, %dma_start3A_27] : memref<104x128xi32, #tpu.memory_space<vmem>> -> memref<104x128xi32, #tpu.memory_space<vmem>>
        %dma_start3A_29 = arith.constant 0 : i32
        %dma_start3A_30 = tpu.memref_slice %arg4[%add3A_16, %dma_start3A_29] : memref<2560x128xi32, #tpu.memory_space<hbm>> -> memref<104x128xi32, #tpu.memory_space<hbm>>
        tpu.enqueue_dma source(%dma_start3A_30 : memref<104x128xi32, #tpu.memory_space<hbm>>) target(%dma_start3A_28 : memref<104x128xi32, #tpu.memory_space<vmem>>) target_semaphore(%run_scoped3A : memref<!tpu.dma_semaphore, #tpu.memory_space<semaphore_mem>>)
        %dma_wait3A = arith.constant 0 : i32
        %dma_wait3A_31 = arith.constant 0 : i32
        %dma_wait3A_32 = tpu.memref_slice %arg8[%dma_wait3A, %dma_wait3A_31] : memref<104x128xi32, #tpu.memory_space<vmem>> -> memref<104x128xi32, #tpu.memory_space<vmem>>
        %dma_wait3A_33 = arith.constant 0 : i32
        %dma_wait3A_34 = tpu.memref_slice %arg4[%add3A_16, %dma_wait3A_33] : memref<2560x128xi32, #tpu.memory_space<hbm>> -> memref<104x128xi32, #tpu.memory_space<hbm>>
        %dma_wait3A_35 = arith.constant 0 : i32
        %dma_wait3A_36 = arith.constant 0 : i32
        %dma_wait3A_37 = tpu.memref_slice %arg8[%dma_wait3A_35, %dma_wait3A_36] : memref<104x128xi32, #tpu.memory_space<vmem>> -> memref<104x128xi32, #tpu.memory_space<vmem>>
        %dma_wait3A_38 = arith.constant 0 : i32
        %dma_wait3A_39 = tpu.memref_slice %arg4[%add3A_16, %dma_wait3A_38] : memref<2560x128xi32, #tpu.memory_space<hbm>> -> memref<104x128xi32, #tpu.memory_space<hbm>>
        tpu.wait_dma2 semaphore(%run_scoped3A : memref<!tpu.dma_semaphore, #tpu.memory_space<semaphore_mem>>) src(%dma_wait3A_39 : memref<104x128xi32, #tpu.memory_space<hbm>>) dst(%dma_wait3A_37 : memref<104x128xi32, #tpu.memory_space<vmem>>)
        tpu.yield
      }) : () -> ()
      %barrier3A = arith.constant 0 : index
      tpu.barrier barrier_id(%barrier3A)
      %scan3A = arith.constant 0 : i32
      %scan3A_17 = arith.constant 104 : i32
      %scan3A_18 = arith.addi %scan3A, %scan3A_17 : i32
      %scan3A_19 = arith.constant 1 : i32
      scf.for %scan3A_22 = %scan3A to %scan3A_18 step %scan3A_19  : i32 {
        %mul3A_23 = arith.constant 1 : i32
        %mul3A_24 = arith.muli %scan3A_22, %mul3A_23 : i32
        %add3A_25 = arith.constant 0 : i32
        %add3A_26 = arith.addi %add3A_25, %mul3A_24 : i32
        %dma_start3A = arith.constant 0 : i32
        %dma_start3A_27 = tpu.memref_slice %arg7[%add3A_26, %dma_start3A] : memref<104x128xi32, #tpu.memory_space<vmem>> -> memref<1x128xi32, #tpu.memory_space<vmem>>
        %dma_start3A_28 = tpu.memref_squeeze %dma_start3A_27 : memref<1x128xi32, #tpu.memory_space<vmem>> -> memref<128xi32, #tpu.memory_space<vmem>>
        %dma_start3A_29 = arith.constant 0 : i32
        %dma_start3A_30 = arith.constant 0 : i32
        %dma_start3A_31 = tpu.memref_slice %arg2[%dma_start3A_29, %dma_start3A_30] : memref<10000x128xf32, #tpu.memory_space<hbm>> -> memref<10000x128xf32, #tpu.memory_space<hbm>>
        tpu.enqueue_indirect_dma source(%dma_start3A_31 : memref<10000x128xf32, #tpu.memory_space<hbm>>) target(%arg9 : memref<128x128xf32, #tpu.memory_space<vmem>>) offsets(%dma_start3A_28 : memref<128xi32, #tpu.memory_space<vmem>>) semaphore(%arg11 : memref<!tpu.dma_semaphore, #tpu.memory_space<semaphore_mem>>)
        %dma_wait3A = arith.constant 0 : i32
        %dma_wait3A_32 = tpu.memref_slice %arg7[%add3A_26, %dma_wait3A] : memref<104x128xi32, #tpu.memory_space<vmem>> -> memref<1x128xi32, #tpu.memory_space<vmem>>
        %dma_wait3A_33 = tpu.memref_squeeze %dma_wait3A_32 : memref<1x128xi32, #tpu.memory_space<vmem>> -> memref<128xi32, #tpu.memory_space<vmem>>
        %dma_wait3A_34 = arith.constant 0 : i32
        %dma_wait3A_35 = arith.constant 0 : i32
        %dma_wait3A_36 = tpu.memref_slice %arg2[%dma_wait3A_34, %dma_wait3A_35] : memref<10000x128xf32, #tpu.memory_space<hbm>> -> memref<10000x128xf32, #tpu.memory_space<hbm>>
        tpu.wait_indirect_dma semaphore(%arg11 : memref<!tpu.dma_semaphore, #tpu.memory_space<semaphore_mem>>) src(%dma_wait3A_36 : memref<10000x128xf32, #tpu.memory_space<hbm>>) dst(%arg9 : memref<128x128xf32, #tpu.memory_space<vmem>>)
        "tpu.region"() ({
          %run_scoped3A = tpu.sem_alloc : memref<!tpu.dma_semaphore, #tpu.memory_space<semaphore_mem>>
          %dma_start3A_37 = arith.constant 0 : i32
          %dma_start3A_38 = tpu.memref_slice %arg8[%add3A_26, %dma_start3A_37] : memref<104x128xi32, #tpu.memory_space<vmem>> -> memref<1x128xi32, #tpu.memory_space<vmem>>
          %dma_start3A_39 = tpu.memref_squeeze %dma_start3A_38 : memref<1x128xi32, #tpu.memory_space<vmem>> -> memref<128xi32, #tpu.memory_space<vmem>>
          %dma_start3A_40 = arith.constant 0 : i32
          %dma_start3A_41 = arith.constant 0 : i32
          %dma_start3A_42 = tpu.memref_slice %arg10[%dma_start3A_40, %dma_start3A_41] : memref<10112x128xf32, #tpu.memory_space<vmem_shared>> -> memref<10112x128xf32, #tpu.memory_space<vmem_shared>>
          tpu.enqueue_indirect_dma source(%arg9 : memref<128x128xf32, #tpu.memory_space<vmem>>) target(%dma_start3A_42 : memref<10112x128xf32, #tpu.memory_space<vmem_shared>>) offsets(%dma_start3A_39 : memref<128xi32, #tpu.memory_space<vmem>>) semaphore(%run_scoped3A : memref<!tpu.dma_semaphore, #tpu.memory_space<semaphore_mem>>) {add = true}
          %dma_wait3A_43 = arith.constant 0 : i32
          %dma_wait3A_44 = tpu.memref_slice %arg8[%add3A_26, %dma_wait3A_43] : memref<104x128xi32, #tpu.memory_space<vmem>> -> memref<1x128xi32, #tpu.memory_space<vmem>>
          %dma_wait3A_45 = tpu.memref_squeeze %dma_wait3A_44 : memref<1x128xi32, #tpu.memory_space<vmem>> -> memref<128xi32, #tpu.memory_space<vmem>>
          %dma_wait3A_46 = arith.constant 0 : i32
          %dma_wait3A_47 = arith.constant 0 : i32
          %dma_wait3A_48 = tpu.memref_slice %arg10[%dma_wait3A_46, %dma_wait3A_47] : memref<10112x128xf32, #tpu.memory_space<vmem_shared>> -> memref<10112x128xf32, #tpu.memory_space<vmem_shared>>
          tpu.wait_indirect_dma semaphore(%run_scoped3A : memref<!tpu.dma_semaphore, #tpu.memory_space<semaphore_mem>>) src(%arg9 : memref<128x128xf32, #tpu.memory_space<vmem>>) dst(%dma_wait3A_48 : memref<10112x128xf32, #tpu.memory_space<vmem_shared>>)
          tpu.yield
        }) : () -> ()
      }
      %scan3A_20 = arith.constant 104 : i32
      %barrier3A_21 = arith.constant 0 : index
      tpu.barrier barrier_id(%barrier3A_21)
    } else {
    }
    %mul3A_10 = arith.constant 632 : i32
    %mul3A_11 = arith.muli %arg1, %mul3A_10 : i32
    %mul3A_12 = arith.constant 632 : i32
    %mul3A_13 = arith.muli %arg1, %mul3A_12 : i32
    "tpu.region"() ({
      %run_scoped3A = tpu.sem_alloc : memref<!tpu.dma_semaphore, #tpu.memory_space<semaphore_mem>>
      %dma_start3A = arith.constant 0 : i32
      %dma_start3A_14 = tpu.memref_slice %arg6[%arg0, %mul3A_13, %dma_start3A] : memref<2x10112x128xf32, #tpu.memory_space<hbm>> -> memref<1x632x128xf32, #tpu.memory_space<hbm>>
      %dma_start3A_15 = tpu.memref_squeeze %dma_start3A_14 : memref<1x632x128xf32, #tpu.memory_space<hbm>> -> memref<632x128xf32, #tpu.memory_space<hbm>>
      %dma_start3A_16 = arith.constant 0 : i32
      %dma_start3A_17 = tpu.memref_slice %arg10[%mul3A_11, %dma_start3A_16] : memref<10112x128xf32, #tpu.memory_space<vmem_shared>> -> memref<632x128xf32, #tpu.memory_space<vmem_shared>>
      tpu.enqueue_dma source(%dma_start3A_17 : memref<632x128xf32, #tpu.memory_space<vmem_shared>>) target(%dma_start3A_15 : memref<632x128xf32, #tpu.memory_space<hbm>>) target_semaphore(%run_scoped3A : memref<!tpu.dma_semaphore, #tpu.memory_space<semaphore_mem>>)
      %dma_wait3A = arith.constant 0 : i32
      %dma_wait3A_18 = tpu.memref_slice %arg6[%arg0, %mul3A_13, %dma_wait3A] : memref<2x10112x128xf32, #tpu.memory_space<hbm>> -> memref<1x632x128xf32, #tpu.memory_space<hbm>>
      %dma_wait3A_19 = tpu.memref_squeeze %dma_wait3A_18 : memref<1x632x128xf32, #tpu.memory_space<hbm>> -> memref<632x128xf32, #tpu.memory_space<hbm>>
      %dma_wait3A_20 = arith.constant 0 : i32
      %dma_wait3A_21 = tpu.memref_slice %arg10[%mul3A_11, %dma_wait3A_20] : memref<10112x128xf32, #tpu.memory_space<vmem_shared>> -> memref<632x128xf32, #tpu.memory_space<vmem_shared>>
      tpu.wait_dma2 semaphore(%run_scoped3A : memref<!tpu.dma_semaphore, #tpu.memory_space<semaphore_mem>>) src(%dma_wait3A_21 : memref<632x128xf32, #tpu.memory_space<vmem_shared>>) dst(%dma_wait3A_19 : memref<632x128xf32, #tpu.memory_space<hbm>>)
      tpu.yield
    }) : () -> ()
    return
  }
}

#map = affine_map<(d0, d1) -> (0, 0)>
#map1 = affine_map<(d0, d1) -> (0, 0, 0)>
module attributes {stable_mosaic.version = 14 : i64} {
  func.func @sc_agg(%arg0: i32, %arg1: i32, %arg2: memref<10000x128xf32, #tpu.memory_space<hbm>>, %arg3: memref<2560x128xi32, #tpu.memory_space<hbm>>, %arg4: memref<2560x128xi32, #tpu.memory_space<hbm>>, %arg5: memref<10112x128xf32, #tpu.memory_space<hbm>>, %arg6: memref<2x10112x128xf32, #tpu.memory_space<hbm>>, %arg7: memref<104x128xi32, #tpu.memory_space<vmem>>, %arg8: memref<104x128xi32, #tpu.memory_space<vmem>>, %arg9: memref<128x128xf32, #tpu.memory_space<vmem>>, %arg10: memref<10112x128xf32, #tpu.memory_space<vmem_shared>>, %arg11: memref<!tpu.dma_semaphore, #tpu.memory_space<semaphore_mem>>) attributes {dimension_semantics = [#tpu.dimension_semantics<core_parallel>, #tpu.dimension_semantics<subcore_parallel>], iteration_bounds = array<i64: 2, 16>, scalar_prefetch = 0 : i64, scratch_operands = 5 : i64, tpu.core_type = #tpu.core_type<sc_vector_subcore>, window_params = [{transform_indices = #map}, {transform_indices = #map}, {transform_indices = #map}, {transform_indices = #map}, {transform_indices = #map1}]} {
    %mul3A = arith.constant 632 : i32
    %mul3A_0 = arith.muli %arg1, %mul3A : i32
    %mul3A_1 = arith.constant 632 : i32
    %mul3A_2 = arith.muli %arg1, %mul3A_1 : i32
    "tpu.region"() ({
      %run_scoped3A = tpu.sem_alloc : memref<!tpu.dma_semaphore, #tpu.memory_space<semaphore_mem>>
      %dma_start3A = arith.constant 0 : i32
      %dma_start3A_14 = tpu.memref_slice %arg10[%mul3A_2, %dma_start3A] : memref<10112x128xf32, #tpu.memory_space<vmem_shared>> -> memref<632x128xf32, #tpu.memory_space<vmem_shared>>
      %dma_start3A_15 = arith.constant 0 : i32
      %dma_start3A_16 = tpu.memref_slice %arg5[%mul3A_0, %dma_start3A_15] : memref<10112x128xf32, #tpu.memory_space<hbm>> -> memref<632x128xf32, #tpu.memory_space<hbm>>
      tpu.enqueue_dma source(%dma_start3A_16 : memref<632x128xf32, #tpu.memory_space<hbm>>) target(%dma_start3A_14 : memref<632x128xf32, #tpu.memory_space<vmem_shared>>) target_semaphore(%run_scoped3A : memref<!tpu.dma_semaphore, #tpu.memory_space<semaphore_mem>>)
      %dma_wait3A = arith.constant 0 : i32
      %dma_wait3A_17 = tpu.memref_slice %arg10[%mul3A_2, %dma_wait3A] : memref<10112x128xf32, #tpu.memory_space<vmem_shared>> -> memref<632x128xf32, #tpu.memory_space<vmem_shared>>
      %dma_wait3A_18 = arith.constant 0 : i32
      %dma_wait3A_19 = tpu.memref_slice %arg5[%mul3A_0, %dma_wait3A_18] : memref<10112x128xf32, #tpu.memory_space<hbm>> -> memref<632x128xf32, #tpu.memory_space<hbm>>
      tpu.wait_dma2 semaphore(%run_scoped3A : memref<!tpu.dma_semaphore, #tpu.memory_space<semaphore_mem>>) src(%dma_wait3A_19 : memref<632x128xf32, #tpu.memory_space<hbm>>) dst(%dma_wait3A_17 : memref<632x128xf32, #tpu.memory_space<vmem_shared>>)
      tpu.yield
    }) : () -> ()
    %eq3A = arith.constant 0 : i32
    %eq3A_3 = arith.cmpi eq, %arg0, %eq3A : i32
    %convert_element_type3A = arith.extui %eq3A_3 : i1 to i32
    %cond3A = arith.constant 0 : i32
    %cond3A_4 = arith.cmpi ne, %convert_element_type3A, %cond3A : i32
    scf.if %cond3A_4 {
      %mul3A_14 = arith.constant 56 : i32
      %mul3A_15 = arith.muli %arg1, %mul3A_14 : i32
      "tpu.region"() ({
        %run_scoped3A = tpu.sem_alloc : memref<!tpu.dma_semaphore, #tpu.memory_space<semaphore_mem>>
        %dma_start3A = arith.constant 0 : i32
        %dma_start3A_21 = arith.constant 0 : i32
        %dma_start3A_22 = tpu.memref_slice %arg7[%dma_start3A, %dma_start3A_21] : memref<104x128xi32, #tpu.memory_space<vmem>> -> memref<56x128xi32, #tpu.memory_space<vmem>>
        %dma_start3A_23 = arith.constant 0 : i32
        %dma_start3A_24 = tpu.memref_slice %arg3[%mul3A_15, %dma_start3A_23] : memref<2560x128xi32, #tpu.memory_space<hbm>> -> memref<56x128xi32, #tpu.memory_space<hbm>>
        %dma_start3A_25 = arith.constant 0 : i32
        %dma_start3A_26 = arith.constant 0 : i32
        %dma_start3A_27 = tpu.memref_slice %arg7[%dma_start3A_25, %dma_start3A_26] : memref<104x128xi32, #tpu.memory_space<vmem>> -> memref<56x128xi32, #tpu.memory_space<vmem>>
        %dma_start3A_28 = arith.constant 0 : i32
        %dma_start3A_29 = tpu.memref_slice %arg3[%mul3A_15, %dma_start3A_28] : memref<2560x128xi32, #tpu.memory_space<hbm>> -> memref<56x128xi32, #tpu.memory_space<hbm>>
        tpu.enqueue_dma source(%dma_start3A_29 : memref<56x128xi32, #tpu.memory_space<hbm>>) target(%dma_start3A_27 : memref<56x128xi32, #tpu.memory_space<vmem>>) target_semaphore(%run_scoped3A : memref<!tpu.dma_semaphore, #tpu.memory_space<semaphore_mem>>)
        %dma_wait3A = arith.constant 0 : i32
        %dma_wait3A_30 = arith.constant 0 : i32
        %dma_wait3A_31 = tpu.memref_slice %arg7[%dma_wait3A, %dma_wait3A_30] : memref<104x128xi32, #tpu.memory_space<vmem>> -> memref<56x128xi32, #tpu.memory_space<vmem>>
        %dma_wait3A_32 = arith.constant 0 : i32
        %dma_wait3A_33 = tpu.memref_slice %arg3[%mul3A_15, %dma_wait3A_32] : memref<2560x128xi32, #tpu.memory_space<hbm>> -> memref<56x128xi32, #tpu.memory_space<hbm>>
        %dma_wait3A_34 = arith.constant 0 : i32
        %dma_wait3A_35 = arith.constant 0 : i32
        %dma_wait3A_36 = tpu.memref_slice %arg7[%dma_wait3A_34, %dma_wait3A_35] : memref<104x128xi32, #tpu.memory_space<vmem>> -> memref<56x128xi32, #tpu.memory_space<vmem>>
        %dma_wait3A_37 = arith.constant 0 : i32
        %dma_wait3A_38 = tpu.memref_slice %arg3[%mul3A_15, %dma_wait3A_37] : memref<2560x128xi32, #tpu.memory_space<hbm>> -> memref<56x128xi32, #tpu.memory_space<hbm>>
        tpu.wait_dma2 semaphore(%run_scoped3A : memref<!tpu.dma_semaphore, #tpu.memory_space<semaphore_mem>>) src(%dma_wait3A_38 : memref<56x128xi32, #tpu.memory_space<hbm>>) dst(%dma_wait3A_36 : memref<56x128xi32, #tpu.memory_space<vmem>>)
        tpu.yield
      }) : () -> ()
      "tpu.region"() ({
        %run_scoped3A = tpu.sem_alloc : memref<!tpu.dma_semaphore, #tpu.memory_space<semaphore_mem>>
        %dma_start3A = arith.constant 0 : i32
        %dma_start3A_21 = arith.constant 0 : i32
        %dma_start3A_22 = tpu.memref_slice %arg8[%dma_start3A, %dma_start3A_21] : memref<104x128xi32, #tpu.memory_space<vmem>> -> memref<56x128xi32, #tpu.memory_space<vmem>>
        %dma_start3A_23 = arith.constant 0 : i32
        %dma_start3A_24 = tpu.memref_slice %arg4[%mul3A_15, %dma_start3A_23] : memref<2560x128xi32, #tpu.memory_space<hbm>> -> memref<56x128xi32, #tpu.memory_space<hbm>>
        %dma_start3A_25 = arith.constant 0 : i32
        %dma_start3A_26 = arith.constant 0 : i32
        %dma_start3A_27 = tpu.memref_slice %arg8[%dma_start3A_25, %dma_start3A_26] : memref<104x128xi32, #tpu.memory_space<vmem>> -> memref<56x128xi32, #tpu.memory_space<vmem>>
        %dma_start3A_28 = arith.constant 0 : i32
        %dma_start3A_29 = tpu.memref_slice %arg4[%mul3A_15, %dma_start3A_28] : memref<2560x128xi32, #tpu.memory_space<hbm>> -> memref<56x128xi32, #tpu.memory_space<hbm>>
        tpu.enqueue_dma source(%dma_start3A_29 : memref<56x128xi32, #tpu.memory_space<hbm>>) target(%dma_start3A_27 : memref<56x128xi32, #tpu.memory_space<vmem>>) target_semaphore(%run_scoped3A : memref<!tpu.dma_semaphore, #tpu.memory_space<semaphore_mem>>)
        %dma_wait3A = arith.constant 0 : i32
        %dma_wait3A_30 = arith.constant 0 : i32
        %dma_wait3A_31 = tpu.memref_slice %arg8[%dma_wait3A, %dma_wait3A_30] : memref<104x128xi32, #tpu.memory_space<vmem>> -> memref<56x128xi32, #tpu.memory_space<vmem>>
        %dma_wait3A_32 = arith.constant 0 : i32
        %dma_wait3A_33 = tpu.memref_slice %arg4[%mul3A_15, %dma_wait3A_32] : memref<2560x128xi32, #tpu.memory_space<hbm>> -> memref<56x128xi32, #tpu.memory_space<hbm>>
        %dma_wait3A_34 = arith.constant 0 : i32
        %dma_wait3A_35 = arith.constant 0 : i32
        %dma_wait3A_36 = tpu.memref_slice %arg8[%dma_wait3A_34, %dma_wait3A_35] : memref<104x128xi32, #tpu.memory_space<vmem>> -> memref<56x128xi32, #tpu.memory_space<vmem>>
        %dma_wait3A_37 = arith.constant 0 : i32
        %dma_wait3A_38 = tpu.memref_slice %arg4[%mul3A_15, %dma_wait3A_37] : memref<2560x128xi32, #tpu.memory_space<hbm>> -> memref<56x128xi32, #tpu.memory_space<hbm>>
        tpu.wait_dma2 semaphore(%run_scoped3A : memref<!tpu.dma_semaphore, #tpu.memory_space<semaphore_mem>>) src(%dma_wait3A_38 : memref<56x128xi32, #tpu.memory_space<hbm>>) dst(%dma_wait3A_36 : memref<56x128xi32, #tpu.memory_space<vmem>>)
        tpu.yield
      }) : () -> ()
      %barrier3A = arith.constant 0 : index
      tpu.barrier barrier_id(%barrier3A)
      %scan3A = arith.constant 0 : i32
      %scan3A_16 = arith.constant 56 : i32
      %scan3A_17 = arith.addi %scan3A, %scan3A_16 : i32
      %scan3A_18 = arith.constant 1 : i32
      scf.for %scan3A_21 = %scan3A to %scan3A_17 step %scan3A_18  : i32 {
        %mul3A_22 = arith.constant 1 : i32
        %mul3A_23 = arith.muli %scan3A_21, %mul3A_22 : i32
        %add3A = arith.constant 0 : i32
        %add3A_24 = arith.addi %add3A, %mul3A_23 : i32
        %dma_start3A = arith.constant 0 : i32
        %dma_start3A_25 = tpu.memref_slice %arg7[%add3A_24, %dma_start3A] : memref<104x128xi32, #tpu.memory_space<vmem>> -> memref<1x128xi32, #tpu.memory_space<vmem>>
        %dma_start3A_26 = tpu.memref_squeeze %dma_start3A_25 : memref<1x128xi32, #tpu.memory_space<vmem>> -> memref<128xi32, #tpu.memory_space<vmem>>
        %dma_start3A_27 = arith.constant 0 : i32
        %dma_start3A_28 = arith.constant 0 : i32
        %dma_start3A_29 = tpu.memref_slice %arg2[%dma_start3A_27, %dma_start3A_28] : memref<10000x128xf32, #tpu.memory_space<hbm>> -> memref<10000x128xf32, #tpu.memory_space<hbm>>
        tpu.enqueue_indirect_dma source(%dma_start3A_29 : memref<10000x128xf32, #tpu.memory_space<hbm>>) target(%arg9 : memref<128x128xf32, #tpu.memory_space<vmem>>) offsets(%dma_start3A_26 : memref<128xi32, #tpu.memory_space<vmem>>) semaphore(%arg11 : memref<!tpu.dma_semaphore, #tpu.memory_space<semaphore_mem>>)
        %dma_wait3A = arith.constant 0 : i32
        %dma_wait3A_30 = tpu.memref_slice %arg7[%add3A_24, %dma_wait3A] : memref<104x128xi32, #tpu.memory_space<vmem>> -> memref<1x128xi32, #tpu.memory_space<vmem>>
        %dma_wait3A_31 = tpu.memref_squeeze %dma_wait3A_30 : memref<1x128xi32, #tpu.memory_space<vmem>> -> memref<128xi32, #tpu.memory_space<vmem>>
        %dma_wait3A_32 = arith.constant 0 : i32
        %dma_wait3A_33 = arith.constant 0 : i32
        %dma_wait3A_34 = tpu.memref_slice %arg2[%dma_wait3A_32, %dma_wait3A_33] : memref<10000x128xf32, #tpu.memory_space<hbm>> -> memref<10000x128xf32, #tpu.memory_space<hbm>>
        tpu.wait_indirect_dma semaphore(%arg11 : memref<!tpu.dma_semaphore, #tpu.memory_space<semaphore_mem>>) src(%dma_wait3A_34 : memref<10000x128xf32, #tpu.memory_space<hbm>>) dst(%arg9 : memref<128x128xf32, #tpu.memory_space<vmem>>)
        "tpu.region"() ({
          %run_scoped3A = tpu.sem_alloc : memref<!tpu.dma_semaphore, #tpu.memory_space<semaphore_mem>>
          %dma_start3A_35 = arith.constant 0 : i32
          %dma_start3A_36 = tpu.memref_slice %arg8[%add3A_24, %dma_start3A_35] : memref<104x128xi32, #tpu.memory_space<vmem>> -> memref<1x128xi32, #tpu.memory_space<vmem>>
          %dma_start3A_37 = tpu.memref_squeeze %dma_start3A_36 : memref<1x128xi32, #tpu.memory_space<vmem>> -> memref<128xi32, #tpu.memory_space<vmem>>
          %dma_start3A_38 = arith.constant 0 : i32
          %dma_start3A_39 = arith.constant 0 : i32
          %dma_start3A_40 = tpu.memref_slice %arg10[%dma_start3A_38, %dma_start3A_39] : memref<10112x128xf32, #tpu.memory_space<vmem_shared>> -> memref<10112x128xf32, #tpu.memory_space<vmem_shared>>
          tpu.enqueue_indirect_dma source(%arg9 : memref<128x128xf32, #tpu.memory_space<vmem>>) target(%dma_start3A_40 : memref<10112x128xf32, #tpu.memory_space<vmem_shared>>) offsets(%dma_start3A_37 : memref<128xi32, #tpu.memory_space<vmem>>) semaphore(%run_scoped3A : memref<!tpu.dma_semaphore, #tpu.memory_space<semaphore_mem>>) {add = true}
          %dma_wait3A_41 = arith.constant 0 : i32
          %dma_wait3A_42 = tpu.memref_slice %arg8[%add3A_24, %dma_wait3A_41] : memref<104x128xi32, #tpu.memory_space<vmem>> -> memref<1x128xi32, #tpu.memory_space<vmem>>
          %dma_wait3A_43 = tpu.memref_squeeze %dma_wait3A_42 : memref<1x128xi32, #tpu.memory_space<vmem>> -> memref<128xi32, #tpu.memory_space<vmem>>
          %dma_wait3A_44 = arith.constant 0 : i32
          %dma_wait3A_45 = arith.constant 0 : i32
          %dma_wait3A_46 = tpu.memref_slice %arg10[%dma_wait3A_44, %dma_wait3A_45] : memref<10112x128xf32, #tpu.memory_space<vmem_shared>> -> memref<10112x128xf32, #tpu.memory_space<vmem_shared>>
          tpu.wait_indirect_dma semaphore(%run_scoped3A : memref<!tpu.dma_semaphore, #tpu.memory_space<semaphore_mem>>) src(%arg9 : memref<128x128xf32, #tpu.memory_space<vmem>>) dst(%dma_wait3A_46 : memref<10112x128xf32, #tpu.memory_space<vmem_shared>>)
          tpu.yield
        }) : () -> ()
      }
      %scan3A_19 = arith.constant 56 : i32
      %barrier3A_20 = arith.constant 0 : index
      tpu.barrier barrier_id(%barrier3A_20)
    } else {
    }
    %eq3A_5 = arith.constant 1 : i32
    %eq3A_6 = arith.cmpi eq, %arg0, %eq3A_5 : i32
    %convert_element_type3A_7 = arith.extui %eq3A_6 : i1 to i32
    %cond3A_8 = arith.constant 0 : i32
    %cond3A_9 = arith.cmpi ne, %convert_element_type3A_7, %cond3A_8 : i32
    scf.if %cond3A_9 {
      %mul3A_14 = arith.constant 104 : i32
      %mul3A_15 = arith.muli %arg1, %mul3A_14 : i32
      %add3A = arith.constant 896 : i32
      %add3A_16 = arith.addi %add3A, %mul3A_15 : i32
      "tpu.region"() ({
        %run_scoped3A = tpu.sem_alloc : memref<!tpu.dma_semaphore, #tpu.memory_space<semaphore_mem>>
        %dma_start3A = arith.constant 0 : i32
        %dma_start3A_22 = arith.constant 0 : i32
        %dma_start3A_23 = tpu.memref_slice %arg7[%dma_start3A, %dma_start3A_22] : memref<104x128xi32, #tpu.memory_space<vmem>> -> memref<104x128xi32, #tpu.memory_space<vmem>>
        %dma_start3A_24 = arith.constant 0 : i32
        %dma_start3A_25 = tpu.memref_slice %arg3[%add3A_16, %dma_start3A_24] : memref<2560x128xi32, #tpu.memory_space<hbm>> -> memref<104x128xi32, #tpu.memory_space<hbm>>
        %dma_start3A_26 = arith.constant 0 : i32
        %dma_start3A_27 = arith.constant 0 : i32
        %dma_start3A_28 = tpu.memref_slice %arg7[%dma_start3A_26, %dma_start3A_27] : memref<104x128xi32, #tpu.memory_space<vmem>> -> memref<104x128xi32, #tpu.memory_space<vmem>>
        %dma_start3A_29 = arith.constant 0 : i32
        %dma_start3A_30 = tpu.memref_slice %arg3[%add3A_16, %dma_start3A_29] : memref<2560x128xi32, #tpu.memory_space<hbm>> -> memref<104x128xi32, #tpu.memory_space<hbm>>
        tpu.enqueue_dma source(%dma_start3A_30 : memref<104x128xi32, #tpu.memory_space<hbm>>) target(%dma_start3A_28 : memref<104x128xi32, #tpu.memory_space<vmem>>) target_semaphore(%run_scoped3A : memref<!tpu.dma_semaphore, #tpu.memory_space<semaphore_mem>>)
        %dma_wait3A = arith.constant 0 : i32
        %dma_wait3A_31 = arith.constant 0 : i32
        %dma_wait3A_32 = tpu.memref_slice %arg7[%dma_wait3A, %dma_wait3A_31] : memref<104x128xi32, #tpu.memory_space<vmem>> -> memref<104x128xi32, #tpu.memory_space<vmem>>
        %dma_wait3A_33 = arith.constant 0 : i32
        %dma_wait3A_34 = tpu.memref_slice %arg3[%add3A_16, %dma_wait3A_33] : memref<2560x128xi32, #tpu.memory_space<hbm>> -> memref<104x128xi32, #tpu.memory_space<hbm>>
        %dma_wait3A_35 = arith.constant 0 : i32
        %dma_wait3A_36 = arith.constant 0 : i32
        %dma_wait3A_37 = tpu.memref_slice %arg7[%dma_wait3A_35, %dma_wait3A_36] : memref<104x128xi32, #tpu.memory_space<vmem>> -> memref<104x128xi32, #tpu.memory_space<vmem>>
        %dma_wait3A_38 = arith.constant 0 : i32
        %dma_wait3A_39 = tpu.memref_slice %arg3[%add3A_16, %dma_wait3A_38] : memref<2560x128xi32, #tpu.memory_space<hbm>> -> memref<104x128xi32, #tpu.memory_space<hbm>>
        tpu.wait_dma2 semaphore(%run_scoped3A : memref<!tpu.dma_semaphore, #tpu.memory_space<semaphore_mem>>) src(%dma_wait3A_39 : memref<104x128xi32, #tpu.memory_space<hbm>>) dst(%dma_wait3A_37 : memref<104x128xi32, #tpu.memory_space<vmem>>)
        tpu.yield
      }) : () -> ()
      "tpu.region"() ({
        %run_scoped3A = tpu.sem_alloc : memref<!tpu.dma_semaphore, #tpu.memory_space<semaphore_mem>>
        %dma_start3A = arith.constant 0 : i32
        %dma_start3A_22 = arith.constant 0 : i32
        %dma_start3A_23 = tpu.memref_slice %arg8[%dma_start3A, %dma_start3A_22] : memref<104x128xi32, #tpu.memory_space<vmem>> -> memref<104x128xi32, #tpu.memory_space<vmem>>
        %dma_start3A_24 = arith.constant 0 : i32
        %dma_start3A_25 = tpu.memref_slice %arg4[%add3A_16, %dma_start3A_24] : memref<2560x128xi32, #tpu.memory_space<hbm>> -> memref<104x128xi32, #tpu.memory_space<hbm>>
        %dma_start3A_26 = arith.constant 0 : i32
        %dma_start3A_27 = arith.constant 0 : i32
        %dma_start3A_28 = tpu.memref_slice %arg8[%dma_start3A_26, %dma_start3A_27] : memref<104x128xi32, #tpu.memory_space<vmem>> -> memref<104x128xi32, #tpu.memory_space<vmem>>
        %dma_start3A_29 = arith.constant 0 : i32
        %dma_start3A_30 = tpu.memref_slice %arg4[%add3A_16, %dma_start3A_29] : memref<2560x128xi32, #tpu.memory_space<hbm>> -> memref<104x128xi32, #tpu.memory_space<hbm>>
        tpu.enqueue_dma source(%dma_start3A_30 : memref<104x128xi32, #tpu.memory_space<hbm>>) target(%dma_start3A_28 : memref<104x128xi32, #tpu.memory_space<vmem>>) target_semaphore(%run_scoped3A : memref<!tpu.dma_semaphore, #tpu.memory_space<semaphore_mem>>)
        %dma_wait3A = arith.constant 0 : i32
        %dma_wait3A_31 = arith.constant 0 : i32
        %dma_wait3A_32 = tpu.memref_slice %arg8[%dma_wait3A, %dma_wait3A_31] : memref<104x128xi32, #tpu.memory_space<vmem>> -> memref<104x128xi32, #tpu.memory_space<vmem>>
        %dma_wait3A_33 = arith.constant 0 : i32
        %dma_wait3A_34 = tpu.memref_slice %arg4[%add3A_16, %dma_wait3A_33] : memref<2560x128xi32, #tpu.memory_space<hbm>> -> memref<104x128xi32, #tpu.memory_space<hbm>>
        %dma_wait3A_35 = arith.constant 0 : i32
        %dma_wait3A_36 = arith.constant 0 : i32
        %dma_wait3A_37 = tpu.memref_slice %arg8[%dma_wait3A_35, %dma_wait3A_36] : memref<104x128xi32, #tpu.memory_space<vmem>> -> memref<104x128xi32, #tpu.memory_space<vmem>>
        %dma_wait3A_38 = arith.constant 0 : i32
        %dma_wait3A_39 = tpu.memref_slice %arg4[%add3A_16, %dma_wait3A_38] : memref<2560x128xi32, #tpu.memory_space<hbm>> -> memref<104x128xi32, #tpu.memory_space<hbm>>
        tpu.wait_dma2 semaphore(%run_scoped3A : memref<!tpu.dma_semaphore, #tpu.memory_space<semaphore_mem>>) src(%dma_wait3A_39 : memref<104x128xi32, #tpu.memory_space<hbm>>) dst(%dma_wait3A_37 : memref<104x128xi32, #tpu.memory_space<vmem>>)
        tpu.yield
      }) : () -> ()
      %barrier3A = arith.constant 0 : index
      tpu.barrier barrier_id(%barrier3A)
      %scan3A = arith.constant 0 : i32
      %scan3A_17 = arith.constant 104 : i32
      %scan3A_18 = arith.addi %scan3A, %scan3A_17 : i32
      %scan3A_19 = arith.constant 1 : i32
      scf.for %scan3A_22 = %scan3A to %scan3A_18 step %scan3A_19  : i32 {
        %mul3A_23 = arith.constant 1 : i32
        %mul3A_24 = arith.muli %scan3A_22, %mul3A_23 : i32
        %add3A_25 = arith.constant 0 : i32
        %add3A_26 = arith.addi %add3A_25, %mul3A_24 : i32
        %dma_start3A = arith.constant 0 : i32
        %dma_start3A_27 = tpu.memref_slice %arg7[%add3A_26, %dma_start3A] : memref<104x128xi32, #tpu.memory_space<vmem>> -> memref<1x128xi32, #tpu.memory_space<vmem>>
        %dma_start3A_28 = tpu.memref_squeeze %dma_start3A_27 : memref<1x128xi32, #tpu.memory_space<vmem>> -> memref<128xi32, #tpu.memory_space<vmem>>
        %dma_start3A_29 = arith.constant 0 : i32
        %dma_start3A_30 = arith.constant 0 : i32
        %dma_start3A_31 = tpu.memref_slice %arg2[%dma_start3A_29, %dma_start3A_30] : memref<10000x128xf32, #tpu.memory_space<hbm>> -> memref<10000x128xf32, #tpu.memory_space<hbm>>
        tpu.enqueue_indirect_dma source(%dma_start3A_31 : memref<10000x128xf32, #tpu.memory_space<hbm>>) target(%arg9 : memref<128x128xf32, #tpu.memory_space<vmem>>) offsets(%dma_start3A_28 : memref<128xi32, #tpu.memory_space<vmem>>) semaphore(%arg11 : memref<!tpu.dma_semaphore, #tpu.memory_space<semaphore_mem>>)
        %dma_wait3A = arith.constant 0 : i32
        %dma_wait3A_32 = tpu.memref_slice %arg7[%add3A_26, %dma_wait3A] : memref<104x128xi32, #tpu.memory_space<vmem>> -> memref<1x128xi32, #tpu.memory_space<vmem>>
        %dma_wait3A_33 = tpu.memref_squeeze %dma_wait3A_32 : memref<1x128xi32, #tpu.memory_space<vmem>> -> memref<128xi32, #tpu.memory_space<vmem>>
        %dma_wait3A_34 = arith.constant 0 : i32
        %dma_wait3A_35 = arith.constant 0 : i32
        %dma_wait3A_36 = tpu.memref_slice %arg2[%dma_wait3A_34, %dma_wait3A_35] : memref<10000x128xf32, #tpu.memory_space<hbm>> -> memref<10000x128xf32, #tpu.memory_space<hbm>>
        tpu.wait_indirect_dma semaphore(%arg11 : memref<!tpu.dma_semaphore, #tpu.memory_space<semaphore_mem>>) src(%dma_wait3A_36 : memref<10000x128xf32, #tpu.memory_space<hbm>>) dst(%arg9 : memref<128x128xf32, #tpu.memory_space<vmem>>)
        "tpu.region"() ({
          %run_scoped3A = tpu.sem_alloc : memref<!tpu.dma_semaphore, #tpu.memory_space<semaphore_mem>>
          %dma_start3A_37 = arith.constant 0 : i32
          %dma_start3A_38 = tpu.memref_slice %arg8[%add3A_26, %dma_start3A_37] : memref<104x128xi32, #tpu.memory_space<vmem>> -> memref<1x128xi32, #tpu.memory_space<vmem>>
          %dma_start3A_39 = tpu.memref_squeeze %dma_start3A_38 : memref<1x128xi32, #tpu.memory_space<vmem>> -> memref<128xi32, #tpu.memory_space<vmem>>
          %dma_start3A_40 = arith.constant 0 : i32
          %dma_start3A_41 = arith.constant 0 : i32
          %dma_start3A_42 = tpu.memref_slice %arg10[%dma_start3A_40, %dma_start3A_41] : memref<10112x128xf32, #tpu.memory_space<vmem_shared>> -> memref<10112x128xf32, #tpu.memory_space<vmem_shared>>
          tpu.enqueue_indirect_dma source(%arg9 : memref<128x128xf32, #tpu.memory_space<vmem>>) target(%dma_start3A_42 : memref<10112x128xf32, #tpu.memory_space<vmem_shared>>) offsets(%dma_start3A_39 : memref<128xi32, #tpu.memory_space<vmem>>) semaphore(%run_scoped3A : memref<!tpu.dma_semaphore, #tpu.memory_space<semaphore_mem>>) {add = true}
          %dma_wait3A_43 = arith.constant 0 : i32
          %dma_wait3A_44 = tpu.memref_slice %arg8[%add3A_26, %dma_wait3A_43] : memref<104x128xi32, #tpu.memory_space<vmem>> -> memref<1x128xi32, #tpu.memory_space<vmem>>
          %dma_wait3A_45 = tpu.memref_squeeze %dma_wait3A_44 : memref<1x128xi32, #tpu.memory_space<vmem>> -> memref<128xi32, #tpu.memory_space<vmem>>
          %dma_wait3A_46 = arith.constant 0 : i32
          %dma_wait3A_47 = arith.constant 0 : i32
          %dma_wait3A_48 = tpu.memref_slice %arg10[%dma_wait3A_46, %dma_wait3A_47] : memref<10112x128xf32, #tpu.memory_space<vmem_shared>> -> memref<10112x128xf32, #tpu.memory_space<vmem_shared>>
          tpu.wait_indirect_dma semaphore(%run_scoped3A : memref<!tpu.dma_semaphore, #tpu.memory_space<semaphore_mem>>) src(%arg9 : memref<128x128xf32, #tpu.memory_space<vmem>>) dst(%dma_wait3A_48 : memref<10112x128xf32, #tpu.memory_space<vmem_shared>>)
          tpu.yield
        }) : () -> ()
      }
      %scan3A_20 = arith.constant 104 : i32
      %barrier3A_21 = arith.constant 0 : index
      tpu.barrier barrier_id(%barrier3A_21)
    } else {
    }
    %mul3A_10 = arith.constant 632 : i32
    %mul3A_11 = arith.muli %arg1, %mul3A_10 : i32
    %mul3A_12 = arith.constant 632 : i32
    %mul3A_13 = arith.muli %arg1, %mul3A_12 : i32
    "tpu.region"() ({
      %run_scoped3A = tpu.sem_alloc : memref<!tpu.dma_semaphore, #tpu.memory_space<semaphore_mem>>
      %dma_start3A = arith.constant 0 : i32
      %dma_start3A_14 = tpu.memref_slice %arg6[%arg0, %mul3A_13, %dma_start3A] : memref<2x10112x128xf32, #tpu.memory_space<hbm>> -> memref<1x632x128xf32, #tpu.memory_space<hbm>>
      %dma_start3A_15 = tpu.memref_squeeze %dma_start3A_14 : memref<1x632x128xf32, #tpu.memory_space<hbm>> -> memref<632x128xf32, #tpu.memory_space<hbm>>
      %dma_start3A_16 = arith.constant 0 : i32
      %dma_start3A_17 = tpu.memref_slice %arg10[%mul3A_11, %dma_start3A_16] : memref<10112x128xf32, #tpu.memory_space<vmem_shared>> -> memref<632x128xf32, #tpu.memory_space<vmem_shared>>
      tpu.enqueue_dma source(%dma_start3A_17 : memref<632x128xf32, #tpu.memory_space<vmem_shared>>) target(%dma_start3A_15 : memref<632x128xf32, #tpu.memory_space<hbm>>) target_semaphore(%run_scoped3A : memref<!tpu.dma_semaphore, #tpu.memory_space<semaphore_mem>>)
      %dma_wait3A = arith.constant 0 : i32
      %dma_wait3A_18 = tpu.memref_slice %arg6[%arg0, %mul3A_13, %dma_wait3A] : memref<2x10112x128xf32, #tpu.memory_space<hbm>> -> memref<1x632x128xf32, #tpu.memory_space<hbm>>
      %dma_wait3A_19 = tpu.memref_squeeze %dma_wait3A_18 : memref<1x632x128xf32, #tpu.memory_space<hbm>> -> memref<632x128xf32, #tpu.memory_space<hbm>>
      %dma_wait3A_20 = arith.constant 0 : i32
      %dma_wait3A_21 = tpu.memref_slice %arg10[%mul3A_11, %dma_wait3A_20] : memref<10112x128xf32, #tpu.memory_space<vmem_shared>> -> memref<632x128xf32, #tpu.memory_space<vmem_shared>>
      tpu.wait_dma2 semaphore(%run_scoped3A : memref<!tpu.dma_semaphore, #tpu.memory_space<semaphore_mem>>) src(%dma_wait3A_21 : memref<632x128xf32, #tpu.memory_space<vmem_shared>>) dst(%dma_wait3A_19 : memref<632x128xf32, #tpu.memory_space<hbm>>)
      tpu.yield
    }) : () -> ()
    return
  }
}

#map = affine_map<(d0, d1) -> (0, 0)>
#map1 = affine_map<(d0, d1) -> (0, 0, 0)>
module attributes {stable_mosaic.version = 14 : i64} {
  func.func @sc_agg(%arg0: i32, %arg1: i32, %arg2: memref<10000x128xf32, #tpu.memory_space<hbm>>, %arg3: memref<2560x128xi32, #tpu.memory_space<hbm>>, %arg4: memref<2560x128xi32, #tpu.memory_space<hbm>>, %arg5: memref<10112x128xf32, #tpu.memory_space<hbm>>, %arg6: memref<2x10112x128xf32, #tpu.memory_space<hbm>>, %arg7: memref<104x128xi32, #tpu.memory_space<vmem>>, %arg8: memref<104x128xi32, #tpu.memory_space<vmem>>, %arg9: memref<128x128xf32, #tpu.memory_space<vmem>>, %arg10: memref<10112x128xf32, #tpu.memory_space<vmem_shared>>, %arg11: memref<!tpu.dma_semaphore, #tpu.memory_space<semaphore_mem>>) attributes {dimension_semantics = [#tpu.dimension_semantics<core_parallel>, #tpu.dimension_semantics<subcore_parallel>], iteration_bounds = array<i64: 2, 16>, scalar_prefetch = 0 : i64, scratch_operands = 5 : i64, tpu.core_type = #tpu.core_type<sc_vector_subcore>, window_params = [{transform_indices = #map}, {transform_indices = #map}, {transform_indices = #map}, {transform_indices = #map}, {transform_indices = #map1}]} {
    %mul3A = arith.constant 632 : i32
    %mul3A_0 = arith.muli %arg1, %mul3A : i32
    %mul3A_1 = arith.constant 632 : i32
    %mul3A_2 = arith.muli %arg1, %mul3A_1 : i32
    "tpu.region"() ({
      %run_scoped3A = tpu.sem_alloc : memref<!tpu.dma_semaphore, #tpu.memory_space<semaphore_mem>>
      %dma_start3A = arith.constant 0 : i32
      %dma_start3A_14 = tpu.memref_slice %arg10[%mul3A_2, %dma_start3A] : memref<10112x128xf32, #tpu.memory_space<vmem_shared>> -> memref<632x128xf32, #tpu.memory_space<vmem_shared>>
      %dma_start3A_15 = arith.constant 0 : i32
      %dma_start3A_16 = tpu.memref_slice %arg5[%mul3A_0, %dma_start3A_15] : memref<10112x128xf32, #tpu.memory_space<hbm>> -> memref<632x128xf32, #tpu.memory_space<hbm>>
      tpu.enqueue_dma source(%dma_start3A_16 : memref<632x128xf32, #tpu.memory_space<hbm>>) target(%dma_start3A_14 : memref<632x128xf32, #tpu.memory_space<vmem_shared>>) target_semaphore(%run_scoped3A : memref<!tpu.dma_semaphore, #tpu.memory_space<semaphore_mem>>)
      %dma_wait3A = arith.constant 0 : i32
      %dma_wait3A_17 = tpu.memref_slice %arg10[%mul3A_2, %dma_wait3A] : memref<10112x128xf32, #tpu.memory_space<vmem_shared>> -> memref<632x128xf32, #tpu.memory_space<vmem_shared>>
      %dma_wait3A_18 = arith.constant 0 : i32
      %dma_wait3A_19 = tpu.memref_slice %arg5[%mul3A_0, %dma_wait3A_18] : memref<10112x128xf32, #tpu.memory_space<hbm>> -> memref<632x128xf32, #tpu.memory_space<hbm>>
      tpu.wait_dma2 semaphore(%run_scoped3A : memref<!tpu.dma_semaphore, #tpu.memory_space<semaphore_mem>>) src(%dma_wait3A_19 : memref<632x128xf32, #tpu.memory_space<hbm>>) dst(%dma_wait3A_17 : memref<632x128xf32, #tpu.memory_space<vmem_shared>>)
      tpu.yield
    }) : () -> ()
    %eq3A = arith.constant 0 : i32
    %eq3A_3 = arith.cmpi eq, %arg0, %eq3A : i32
    %convert_element_type3A = arith.extui %eq3A_3 : i1 to i32
    %cond3A = arith.constant 0 : i32
    %cond3A_4 = arith.cmpi ne, %convert_element_type3A, %cond3A : i32
    scf.if %cond3A_4 {
      %mul3A_14 = arith.constant 56 : i32
      %mul3A_15 = arith.muli %arg1, %mul3A_14 : i32
      "tpu.region"() ({
        %run_scoped3A = tpu.sem_alloc : memref<!tpu.dma_semaphore, #tpu.memory_space<semaphore_mem>>
        %dma_start3A = arith.constant 0 : i32
        %dma_start3A_21 = arith.constant 0 : i32
        %dma_start3A_22 = tpu.memref_slice %arg7[%dma_start3A, %dma_start3A_21] : memref<104x128xi32, #tpu.memory_space<vmem>> -> memref<56x128xi32, #tpu.memory_space<vmem>>
        %dma_start3A_23 = arith.constant 0 : i32
        %dma_start3A_24 = tpu.memref_slice %arg3[%mul3A_15, %dma_start3A_23] : memref<2560x128xi32, #tpu.memory_space<hbm>> -> memref<56x128xi32, #tpu.memory_space<hbm>>
        %dma_start3A_25 = arith.constant 0 : i32
        %dma_start3A_26 = arith.constant 0 : i32
        %dma_start3A_27 = tpu.memref_slice %arg7[%dma_start3A_25, %dma_start3A_26] : memref<104x128xi32, #tpu.memory_space<vmem>> -> memref<56x128xi32, #tpu.memory_space<vmem>>
        %dma_start3A_28 = arith.constant 0 : i32
        %dma_start3A_29 = tpu.memref_slice %arg3[%mul3A_15, %dma_start3A_28] : memref<2560x128xi32, #tpu.memory_space<hbm>> -> memref<56x128xi32, #tpu.memory_space<hbm>>
        tpu.enqueue_dma source(%dma_start3A_29 : memref<56x128xi32, #tpu.memory_space<hbm>>) target(%dma_start3A_27 : memref<56x128xi32, #tpu.memory_space<vmem>>) target_semaphore(%run_scoped3A : memref<!tpu.dma_semaphore, #tpu.memory_space<semaphore_mem>>)
        %dma_wait3A = arith.constant 0 : i32
        %dma_wait3A_30 = arith.constant 0 : i32
        %dma_wait3A_31 = tpu.memref_slice %arg7[%dma_wait3A, %dma_wait3A_30] : memref<104x128xi32, #tpu.memory_space<vmem>> -> memref<56x128xi32, #tpu.memory_space<vmem>>
        %dma_wait3A_32 = arith.constant 0 : i32
        %dma_wait3A_33 = tpu.memref_slice %arg3[%mul3A_15, %dma_wait3A_32] : memref<2560x128xi32, #tpu.memory_space<hbm>> -> memref<56x128xi32, #tpu.memory_space<hbm>>
        %dma_wait3A_34 = arith.constant 0 : i32
        %dma_wait3A_35 = arith.constant 0 : i32
        %dma_wait3A_36 = tpu.memref_slice %arg7[%dma_wait3A_34, %dma_wait3A_35] : memref<104x128xi32, #tpu.memory_space<vmem>> -> memref<56x128xi32, #tpu.memory_space<vmem>>
        %dma_wait3A_37 = arith.constant 0 : i32
        %dma_wait3A_38 = tpu.memref_slice %arg3[%mul3A_15, %dma_wait3A_37] : memref<2560x128xi32, #tpu.memory_space<hbm>> -> memref<56x128xi32, #tpu.memory_space<hbm>>
        tpu.wait_dma2 semaphore(%run_scoped3A : memref<!tpu.dma_semaphore, #tpu.memory_space<semaphore_mem>>) src(%dma_wait3A_38 : memref<56x128xi32, #tpu.memory_space<hbm>>) dst(%dma_wait3A_36 : memref<56x128xi32, #tpu.memory_space<vmem>>)
        tpu.yield
      }) : () -> ()
      "tpu.region"() ({
        %run_scoped3A = tpu.sem_alloc : memref<!tpu.dma_semaphore, #tpu.memory_space<semaphore_mem>>
        %dma_start3A = arith.constant 0 : i32
        %dma_start3A_21 = arith.constant 0 : i32
        %dma_start3A_22 = tpu.memref_slice %arg8[%dma_start3A, %dma_start3A_21] : memref<104x128xi32, #tpu.memory_space<vmem>> -> memref<56x128xi32, #tpu.memory_space<vmem>>
        %dma_start3A_23 = arith.constant 0 : i32
        %dma_start3A_24 = tpu.memref_slice %arg4[%mul3A_15, %dma_start3A_23] : memref<2560x128xi32, #tpu.memory_space<hbm>> -> memref<56x128xi32, #tpu.memory_space<hbm>>
        %dma_start3A_25 = arith.constant 0 : i32
        %dma_start3A_26 = arith.constant 0 : i32
        %dma_start3A_27 = tpu.memref_slice %arg8[%dma_start3A_25, %dma_start3A_26] : memref<104x128xi32, #tpu.memory_space<vmem>> -> memref<56x128xi32, #tpu.memory_space<vmem>>
        %dma_start3A_28 = arith.constant 0 : i32
        %dma_start3A_29 = tpu.memref_slice %arg4[%mul3A_15, %dma_start3A_28] : memref<2560x128xi32, #tpu.memory_space<hbm>> -> memref<56x128xi32, #tpu.memory_space<hbm>>
        tpu.enqueue_dma source(%dma_start3A_29 : memref<56x128xi32, #tpu.memory_space<hbm>>) target(%dma_start3A_27 : memref<56x128xi32, #tpu.memory_space<vmem>>) target_semaphore(%run_scoped3A : memref<!tpu.dma_semaphore, #tpu.memory_space<semaphore_mem>>)
        %dma_wait3A = arith.constant 0 : i32
        %dma_wait3A_30 = arith.constant 0 : i32
        %dma_wait3A_31 = tpu.memref_slice %arg8[%dma_wait3A, %dma_wait3A_30] : memref<104x128xi32, #tpu.memory_space<vmem>> -> memref<56x128xi32, #tpu.memory_space<vmem>>
        %dma_wait3A_32 = arith.constant 0 : i32
        %dma_wait3A_33 = tpu.memref_slice %arg4[%mul3A_15, %dma_wait3A_32] : memref<2560x128xi32, #tpu.memory_space<hbm>> -> memref<56x128xi32, #tpu.memory_space<hbm>>
        %dma_wait3A_34 = arith.constant 0 : i32
        %dma_wait3A_35 = arith.constant 0 : i32
        %dma_wait3A_36 = tpu.memref_slice %arg8[%dma_wait3A_34, %dma_wait3A_35] : memref<104x128xi32, #tpu.memory_space<vmem>> -> memref<56x128xi32, #tpu.memory_space<vmem>>
        %dma_wait3A_37 = arith.constant 0 : i32
        %dma_wait3A_38 = tpu.memref_slice %arg4[%mul3A_15, %dma_wait3A_37] : memref<2560x128xi32, #tpu.memory_space<hbm>> -> memref<56x128xi32, #tpu.memory_space<hbm>>
        tpu.wait_dma2 semaphore(%run_scoped3A : memref<!tpu.dma_semaphore, #tpu.memory_space<semaphore_mem>>) src(%dma_wait3A_38 : memref<56x128xi32, #tpu.memory_space<hbm>>) dst(%dma_wait3A_36 : memref<56x128xi32, #tpu.memory_space<vmem>>)
        tpu.yield
      }) : () -> ()
      %barrier3A = arith.constant 0 : index
      tpu.barrier barrier_id(%barrier3A)
      %scan3A = arith.constant 0 : i32
      %scan3A_16 = arith.constant 56 : i32
      %scan3A_17 = arith.addi %scan3A, %scan3A_16 : i32
      %scan3A_18 = arith.constant 1 : i32
      scf.for %scan3A_21 = %scan3A to %scan3A_17 step %scan3A_18  : i32 {
        %mul3A_22 = arith.constant 1 : i32
        %mul3A_23 = arith.muli %scan3A_21, %mul3A_22 : i32
        %add3A = arith.constant 0 : i32
        %add3A_24 = arith.addi %add3A, %mul3A_23 : i32
        %dma_start3A = arith.constant 0 : i32
        %dma_start3A_25 = tpu.memref_slice %arg7[%add3A_24, %dma_start3A] : memref<104x128xi32, #tpu.memory_space<vmem>> -> memref<1x128xi32, #tpu.memory_space<vmem>>
        %dma_start3A_26 = tpu.memref_squeeze %dma_start3A_25 : memref<1x128xi32, #tpu.memory_space<vmem>> -> memref<128xi32, #tpu.memory_space<vmem>>
        %dma_start3A_27 = arith.constant 0 : i32
        %dma_start3A_28 = arith.constant 0 : i32
        %dma_start3A_29 = tpu.memref_slice %arg2[%dma_start3A_27, %dma_start3A_28] : memref<10000x128xf32, #tpu.memory_space<hbm>> -> memref<10000x128xf32, #tpu.memory_space<hbm>>
        tpu.enqueue_indirect_dma source(%dma_start3A_29 : memref<10000x128xf32, #tpu.memory_space<hbm>>) target(%arg9 : memref<128x128xf32, #tpu.memory_space<vmem>>) offsets(%dma_start3A_26 : memref<128xi32, #tpu.memory_space<vmem>>) semaphore(%arg11 : memref<!tpu.dma_semaphore, #tpu.memory_space<semaphore_mem>>)
        %dma_wait3A = arith.constant 0 : i32
        %dma_wait3A_30 = tpu.memref_slice %arg7[%add3A_24, %dma_wait3A] : memref<104x128xi32, #tpu.memory_space<vmem>> -> memref<1x128xi32, #tpu.memory_space<vmem>>
        %dma_wait3A_31 = tpu.memref_squeeze %dma_wait3A_30 : memref<1x128xi32, #tpu.memory_space<vmem>> -> memref<128xi32, #tpu.memory_space<vmem>>
        %dma_wait3A_32 = arith.constant 0 : i32
        %dma_wait3A_33 = arith.constant 0 : i32
        %dma_wait3A_34 = tpu.memref_slice %arg2[%dma_wait3A_32, %dma_wait3A_33] : memref<10000x128xf32, #tpu.memory_space<hbm>> -> memref<10000x128xf32, #tpu.memory_space<hbm>>
        tpu.wait_indirect_dma semaphore(%arg11 : memref<!tpu.dma_semaphore, #tpu.memory_space<semaphore_mem>>) src(%dma_wait3A_34 : memref<10000x128xf32, #tpu.memory_space<hbm>>) dst(%arg9 : memref<128x128xf32, #tpu.memory_space<vmem>>)
        "tpu.region"() ({
          %run_scoped3A = tpu.sem_alloc : memref<!tpu.dma_semaphore, #tpu.memory_space<semaphore_mem>>
          %dma_start3A_35 = arith.constant 0 : i32
          %dma_start3A_36 = tpu.memref_slice %arg8[%add3A_24, %dma_start3A_35] : memref<104x128xi32, #tpu.memory_space<vmem>> -> memref<1x128xi32, #tpu.memory_space<vmem>>
          %dma_start3A_37 = tpu.memref_squeeze %dma_start3A_36 : memref<1x128xi32, #tpu.memory_space<vmem>> -> memref<128xi32, #tpu.memory_space<vmem>>
          %dma_start3A_38 = arith.constant 0 : i32
          %dma_start3A_39 = arith.constant 0 : i32
          %dma_start3A_40 = tpu.memref_slice %arg10[%dma_start3A_38, %dma_start3A_39] : memref<10112x128xf32, #tpu.memory_space<vmem_shared>> -> memref<10112x128xf32, #tpu.memory_space<vmem_shared>>
          tpu.enqueue_indirect_dma source(%arg9 : memref<128x128xf32, #tpu.memory_space<vmem>>) target(%dma_start3A_40 : memref<10112x128xf32, #tpu.memory_space<vmem_shared>>) offsets(%dma_start3A_37 : memref<128xi32, #tpu.memory_space<vmem>>) semaphore(%run_scoped3A : memref<!tpu.dma_semaphore, #tpu.memory_space<semaphore_mem>>) {add = true}
          %dma_wait3A_41 = arith.constant 0 : i32
          %dma_wait3A_42 = tpu.memref_slice %arg8[%add3A_24, %dma_wait3A_41] : memref<104x128xi32, #tpu.memory_space<vmem>> -> memref<1x128xi32, #tpu.memory_space<vmem>>
          %dma_wait3A_43 = tpu.memref_squeeze %dma_wait3A_42 : memref<1x128xi32, #tpu.memory_space<vmem>> -> memref<128xi32, #tpu.memory_space<vmem>>
          %dma_wait3A_44 = arith.constant 0 : i32
          %dma_wait3A_45 = arith.constant 0 : i32
          %dma_wait3A_46 = tpu.memref_slice %arg10[%dma_wait3A_44, %dma_wait3A_45] : memref<10112x128xf32, #tpu.memory_space<vmem_shared>> -> memref<10112x128xf32, #tpu.memory_space<vmem_shared>>
          tpu.wait_indirect_dma semaphore(%run_scoped3A : memref<!tpu.dma_semaphore, #tpu.memory_space<semaphore_mem>>) src(%arg9 : memref<128x128xf32, #tpu.memory_space<vmem>>) dst(%dma_wait3A_46 : memref<10112x128xf32, #tpu.memory_space<vmem_shared>>)
          tpu.yield
        }) : () -> ()
      }
      %scan3A_19 = arith.constant 56 : i32
      %barrier3A_20 = arith.constant 0 : index
      tpu.barrier barrier_id(%barrier3A_20)
    } else {
    }
    %eq3A_5 = arith.constant 1 : i32
    %eq3A_6 = arith.cmpi eq, %arg0, %eq3A_5 : i32
    %convert_element_type3A_7 = arith.extui %eq3A_6 : i1 to i32
    %cond3A_8 = arith.constant 0 : i32
    %cond3A_9 = arith.cmpi ne, %convert_element_type3A_7, %cond3A_8 : i32
    scf.if %cond3A_9 {
      %mul3A_14 = arith.constant 104 : i32
      %mul3A_15 = arith.muli %arg1, %mul3A_14 : i32
      %add3A = arith.constant 896 : i32
      %add3A_16 = arith.addi %add3A, %mul3A_15 : i32
      "tpu.region"() ({
        %run_scoped3A = tpu.sem_alloc : memref<!tpu.dma_semaphore, #tpu.memory_space<semaphore_mem>>
        %dma_start3A = arith.constant 0 : i32
        %dma_start3A_22 = arith.constant 0 : i32
        %dma_start3A_23 = tpu.memref_slice %arg7[%dma_start3A, %dma_start3A_22] : memref<104x128xi32, #tpu.memory_space<vmem>> -> memref<104x128xi32, #tpu.memory_space<vmem>>
        %dma_start3A_24 = arith.constant 0 : i32
        %dma_start3A_25 = tpu.memref_slice %arg3[%add3A_16, %dma_start3A_24] : memref<2560x128xi32, #tpu.memory_space<hbm>> -> memref<104x128xi32, #tpu.memory_space<hbm>>
        %dma_start3A_26 = arith.constant 0 : i32
        %dma_start3A_27 = arith.constant 0 : i32
        %dma_start3A_28 = tpu.memref_slice %arg7[%dma_start3A_26, %dma_start3A_27] : memref<104x128xi32, #tpu.memory_space<vmem>> -> memref<104x128xi32, #tpu.memory_space<vmem>>
        %dma_start3A_29 = arith.constant 0 : i32
        %dma_start3A_30 = tpu.memref_slice %arg3[%add3A_16, %dma_start3A_29] : memref<2560x128xi32, #tpu.memory_space<hbm>> -> memref<104x128xi32, #tpu.memory_space<hbm>>
        tpu.enqueue_dma source(%dma_start3A_30 : memref<104x128xi32, #tpu.memory_space<hbm>>) target(%dma_start3A_28 : memref<104x128xi32, #tpu.memory_space<vmem>>) target_semaphore(%run_scoped3A : memref<!tpu.dma_semaphore, #tpu.memory_space<semaphore_mem>>)
        %dma_wait3A = arith.constant 0 : i32
        %dma_wait3A_31 = arith.constant 0 : i32
        %dma_wait3A_32 = tpu.memref_slice %arg7[%dma_wait3A, %dma_wait3A_31] : memref<104x128xi32, #tpu.memory_space<vmem>> -> memref<104x128xi32, #tpu.memory_space<vmem>>
        %dma_wait3A_33 = arith.constant 0 : i32
        %dma_wait3A_34 = tpu.memref_slice %arg3[%add3A_16, %dma_wait3A_33] : memref<2560x128xi32, #tpu.memory_space<hbm>> -> memref<104x128xi32, #tpu.memory_space<hbm>>
        %dma_wait3A_35 = arith.constant 0 : i32
        %dma_wait3A_36 = arith.constant 0 : i32
        %dma_wait3A_37 = tpu.memref_slice %arg7[%dma_wait3A_35, %dma_wait3A_36] : memref<104x128xi32, #tpu.memory_space<vmem>> -> memref<104x128xi32, #tpu.memory_space<vmem>>
        %dma_wait3A_38 = arith.constant 0 : i32
        %dma_wait3A_39 = tpu.memref_slice %arg3[%add3A_16, %dma_wait3A_38] : memref<2560x128xi32, #tpu.memory_space<hbm>> -> memref<104x128xi32, #tpu.memory_space<hbm>>
        tpu.wait_dma2 semaphore(%run_scoped3A : memref<!tpu.dma_semaphore, #tpu.memory_space<semaphore_mem>>) src(%dma_wait3A_39 : memref<104x128xi32, #tpu.memory_space<hbm>>) dst(%dma_wait3A_37 : memref<104x128xi32, #tpu.memory_space<vmem>>)
        tpu.yield
      }) : () -> ()
      "tpu.region"() ({
        %run_scoped3A = tpu.sem_alloc : memref<!tpu.dma_semaphore, #tpu.memory_space<semaphore_mem>>
        %dma_start3A = arith.constant 0 : i32
        %dma_start3A_22 = arith.constant 0 : i32
        %dma_start3A_23 = tpu.memref_slice %arg8[%dma_start3A, %dma_start3A_22] : memref<104x128xi32, #tpu.memory_space<vmem>> -> memref<104x128xi32, #tpu.memory_space<vmem>>
        %dma_start3A_24 = arith.constant 0 : i32
        %dma_start3A_25 = tpu.memref_slice %arg4[%add3A_16, %dma_start3A_24] : memref<2560x128xi32, #tpu.memory_space<hbm>> -> memref<104x128xi32, #tpu.memory_space<hbm>>
        %dma_start3A_26 = arith.constant 0 : i32
        %dma_start3A_27 = arith.constant 0 : i32
        %dma_start3A_28 = tpu.memref_slice %arg8[%dma_start3A_26, %dma_start3A_27] : memref<104x128xi32, #tpu.memory_space<vmem>> -> memref<104x128xi32, #tpu.memory_space<vmem>>
        %dma_start3A_29 = arith.constant 0 : i32
        %dma_start3A_30 = tpu.memref_slice %arg4[%add3A_16, %dma_start3A_29] : memref<2560x128xi32, #tpu.memory_space<hbm>> -> memref<104x128xi32, #tpu.memory_space<hbm>>
        tpu.enqueue_dma source(%dma_start3A_30 : memref<104x128xi32, #tpu.memory_space<hbm>>) target(%dma_start3A_28 : memref<104x128xi32, #tpu.memory_space<vmem>>) target_semaphore(%run_scoped3A : memref<!tpu.dma_semaphore, #tpu.memory_space<semaphore_mem>>)
        %dma_wait3A = arith.constant 0 : i32
        %dma_wait3A_31 = arith.constant 0 : i32
        %dma_wait3A_32 = tpu.memref_slice %arg8[%dma_wait3A, %dma_wait3A_31] : memref<104x128xi32, #tpu.memory_space<vmem>> -> memref<104x128xi32, #tpu.memory_space<vmem>>
        %dma_wait3A_33 = arith.constant 0 : i32
        %dma_wait3A_34 = tpu.memref_slice %arg4[%add3A_16, %dma_wait3A_33] : memref<2560x128xi32, #tpu.memory_space<hbm>> -> memref<104x128xi32, #tpu.memory_space<hbm>>
        %dma_wait3A_35 = arith.constant 0 : i32
        %dma_wait3A_36 = arith.constant 0 : i32
        %dma_wait3A_37 = tpu.memref_slice %arg8[%dma_wait3A_35, %dma_wait3A_36] : memref<104x128xi32, #tpu.memory_space<vmem>> -> memref<104x128xi32, #tpu.memory_space<vmem>>
        %dma_wait3A_38 = arith.constant 0 : i32
        %dma_wait3A_39 = tpu.memref_slice %arg4[%add3A_16, %dma_wait3A_38] : memref<2560x128xi32, #tpu.memory_space<hbm>> -> memref<104x128xi32, #tpu.memory_space<hbm>>
        tpu.wait_dma2 semaphore(%run_scoped3A : memref<!tpu.dma_semaphore, #tpu.memory_space<semaphore_mem>>) src(%dma_wait3A_39 : memref<104x128xi32, #tpu.memory_space<hbm>>) dst(%dma_wait3A_37 : memref<104x128xi32, #tpu.memory_space<vmem>>)
        tpu.yield
      }) : () -> ()
      %barrier3A = arith.constant 0 : index
      tpu.barrier barrier_id(%barrier3A)
      %scan3A = arith.constant 0 : i32
      %scan3A_17 = arith.constant 104 : i32
      %scan3A_18 = arith.addi %scan3A, %scan3A_17 : i32
      %scan3A_19 = arith.constant 1 : i32
      scf.for %scan3A_22 = %scan3A to %scan3A_18 step %scan3A_19  : i32 {
        %mul3A_23 = arith.constant 1 : i32
        %mul3A_24 = arith.muli %scan3A_22, %mul3A_23 : i32
        %add3A_25 = arith.constant 0 : i32
        %add3A_26 = arith.addi %add3A_25, %mul3A_24 : i32
        %dma_start3A = arith.constant 0 : i32
        %dma_start3A_27 = tpu.memref_slice %arg7[%add3A_26, %dma_start3A] : memref<104x128xi32, #tpu.memory_space<vmem>> -> memref<1x128xi32, #tpu.memory_space<vmem>>
        %dma_start3A_28 = tpu.memref_squeeze %dma_start3A_27 : memref<1x128xi32, #tpu.memory_space<vmem>> -> memref<128xi32, #tpu.memory_space<vmem>>
        %dma_start3A_29 = arith.constant 0 : i32
        %dma_start3A_30 = arith.constant 0 : i32
        %dma_start3A_31 = tpu.memref_slice %arg2[%dma_start3A_29, %dma_start3A_30] : memref<10000x128xf32, #tpu.memory_space<hbm>> -> memref<10000x128xf32, #tpu.memory_space<hbm>>
        tpu.enqueue_indirect_dma source(%dma_start3A_31 : memref<10000x128xf32, #tpu.memory_space<hbm>>) target(%arg9 : memref<128x128xf32, #tpu.memory_space<vmem>>) offsets(%dma_start3A_28 : memref<128xi32, #tpu.memory_space<vmem>>) semaphore(%arg11 : memref<!tpu.dma_semaphore, #tpu.memory_space<semaphore_mem>>)
        %dma_wait3A = arith.constant 0 : i32
        %dma_wait3A_32 = tpu.memref_slice %arg7[%add3A_26, %dma_wait3A] : memref<104x128xi32, #tpu.memory_space<vmem>> -> memref<1x128xi32, #tpu.memory_space<vmem>>
        %dma_wait3A_33 = tpu.memref_squeeze %dma_wait3A_32 : memref<1x128xi32, #tpu.memory_space<vmem>> -> memref<128xi32, #tpu.memory_space<vmem>>
        %dma_wait3A_34 = arith.constant 0 : i32
        %dma_wait3A_35 = arith.constant 0 : i32
        %dma_wait3A_36 = tpu.memref_slice %arg2[%dma_wait3A_34, %dma_wait3A_35] : memref<10000x128xf32, #tpu.memory_space<hbm>> -> memref<10000x128xf32, #tpu.memory_space<hbm>>
        tpu.wait_indirect_dma semaphore(%arg11 : memref<!tpu.dma_semaphore, #tpu.memory_space<semaphore_mem>>) src(%dma_wait3A_36 : memref<10000x128xf32, #tpu.memory_space<hbm>>) dst(%arg9 : memref<128x128xf32, #tpu.memory_space<vmem>>)
        "tpu.region"() ({
          %run_scoped3A = tpu.sem_alloc : memref<!tpu.dma_semaphore, #tpu.memory_space<semaphore_mem>>
          %dma_start3A_37 = arith.constant 0 : i32
          %dma_start3A_38 = tpu.memref_slice %arg8[%add3A_26, %dma_start3A_37] : memref<104x128xi32, #tpu.memory_space<vmem>> -> memref<1x128xi32, #tpu.memory_space<vmem>>
          %dma_start3A_39 = tpu.memref_squeeze %dma_start3A_38 : memref<1x128xi32, #tpu.memory_space<vmem>> -> memref<128xi32, #tpu.memory_space<vmem>>
          %dma_start3A_40 = arith.constant 0 : i32
          %dma_start3A_41 = arith.constant 0 : i32
          %dma_start3A_42 = tpu.memref_slice %arg10[%dma_start3A_40, %dma_start3A_41] : memref<10112x128xf32, #tpu.memory_space<vmem_shared>> -> memref<10112x128xf32, #tpu.memory_space<vmem_shared>>
          tpu.enqueue_indirect_dma source(%arg9 : memref<128x128xf32, #tpu.memory_space<vmem>>) target(%dma_start3A_42 : memref<10112x128xf32, #tpu.memory_space<vmem_shared>>) offsets(%dma_start3A_39 : memref<128xi32, #tpu.memory_space<vmem>>) semaphore(%run_scoped3A : memref<!tpu.dma_semaphore, #tpu.memory_space<semaphore_mem>>) {add = true}
          %dma_wait3A_43 = arith.constant 0 : i32
          %dma_wait3A_44 = tpu.memref_slice %arg8[%add3A_26, %dma_wait3A_43] : memref<104x128xi32, #tpu.memory_space<vmem>> -> memref<1x128xi32, #tpu.memory_space<vmem>>
          %dma_wait3A_45 = tpu.memref_squeeze %dma_wait3A_44 : memref<1x128xi32, #tpu.memory_space<vmem>> -> memref<128xi32, #tpu.memory_space<vmem>>
          %dma_wait3A_46 = arith.constant 0 : i32
          %dma_wait3A_47 = arith.constant 0 : i32
          %dma_wait3A_48 = tpu.memref_slice %arg10[%dma_wait3A_46, %dma_wait3A_47] : memref<10112x128xf32, #tpu.memory_space<vmem_shared>> -> memref<10112x128xf32, #tpu.memory_space<vmem_shared>>
          tpu.wait_indirect_dma semaphore(%run_scoped3A : memref<!tpu.dma_semaphore, #tpu.memory_space<semaphore_mem>>) src(%arg9 : memref<128x128xf32, #tpu.memory_space<vmem>>) dst(%dma_wait3A_48 : memref<10112x128xf32, #tpu.memory_space<vmem_shared>>)
          tpu.yield
        }) : () -> ()
      }
      %scan3A_20 = arith.constant 104 : i32
      %barrier3A_21 = arith.constant 0 : index
      tpu.barrier barrier_id(%barrier3A_21)
    } else {
    }
    %mul3A_10 = arith.constant 632 : i32
    %mul3A_11 = arith.muli %arg1, %mul3A_10 : i32
    %mul3A_12 = arith.constant 632 : i32
    %mul3A_13 = arith.muli %arg1, %mul3A_12 : i32
    "tpu.region"() ({
      %run_scoped3A = tpu.sem_alloc : memref<!tpu.dma_semaphore, #tpu.memory_space<semaphore_mem>>
      %dma_start3A = arith.constant 0 : i32
      %dma_start3A_14 = tpu.memref_slice %arg6[%arg0, %mul3A_13, %dma_start3A] : memref<2x10112x128xf32, #tpu.memory_space<hbm>> -> memref<1x632x128xf32, #tpu.memory_space<hbm>>
      %dma_start3A_15 = tpu.memref_squeeze %dma_start3A_14 : memref<1x632x128xf32, #tpu.memory_space<hbm>> -> memref<632x128xf32, #tpu.memory_space<hbm>>
      %dma_start3A_16 = arith.constant 0 : i32
      %dma_start3A_17 = tpu.memref_slice %arg10[%mul3A_11, %dma_start3A_16] : memref<10112x128xf32, #tpu.memory_space<vmem_shared>> -> memref<632x128xf32, #tpu.memory_space<vmem_shared>>
      tpu.enqueue_dma source(%dma_start3A_17 : memref<632x128xf32, #tpu.memory_space<vmem_shared>>) target(%dma_start3A_15 : memref<632x128xf32, #tpu.memory_space<hbm>>) target_semaphore(%run_scoped3A : memref<!tpu.dma_semaphore, #tpu.memory_space<semaphore_mem>>)
      %dma_wait3A = arith.constant 0 : i32
      %dma_wait3A_18 = tpu.memref_slice %arg6[%arg0, %mul3A_13, %dma_wait3A] : memref<2x10112x128xf32, #tpu.memory_space<hbm>> -> memref<1x632x128xf32, #tpu.memory_space<hbm>>
      %dma_wait3A_19 = tpu.memref_squeeze %dma_wait3A_18 : memref<1x632x128xf32, #tpu.memory_space<hbm>> -> memref<632x128xf32, #tpu.memory_space<hbm>>
      %dma_wait3A_20 = arith.constant 0 : i32
      %dma_wait3A_21 = tpu.memref_slice %arg10[%mul3A_11, %dma_wait3A_20] : memref<10112x128xf32, #tpu.memory_space<vmem_shared>> -> memref<632x128xf32, #tpu.memory_space<vmem_shared>>
      tpu.wait_dma2 semaphore(%run_scoped3A : memref<!tpu.dma_semaphore, #tpu.memory_space<semaphore_mem>>) src(%dma_wait3A_21 : memref<632x128xf32, #tpu.memory_space<vmem_shared>>) dst(%dma_wait3A_19 : memref<632x128xf32, #tpu.memory_space<hbm>>)
      tpu.yield
    }) : () -> ()
    return
  }
}

#map = affine_map<(d0, d1) -> (0, 0)>
#map1 = affine_map<(d0, d1) -> (0, 0, 0)>
module attributes {stable_mosaic.version = 14 : i64} {
  func.func @sc_deg(%arg0: i32, %arg1: i32, %arg2: memref<2560x128xi32, #tpu.memory_space<hbm>>, %arg3: memref<10112x16xf32, #tpu.memory_space<hbm>>, %arg4: memref<2x10112x16xf32, #tpu.memory_space<hbm>>, %arg5: memref<80x128xi32, #tpu.memory_space<vmem>>, %arg6: memref<128x16xf32, #tpu.memory_space<vmem>>, %arg7: memref<10112x16xf32, #tpu.memory_space<vmem_shared>>) attributes {dimension_semantics = [#tpu.dimension_semantics<core_parallel>, #tpu.dimension_semantics<subcore_parallel>], iteration_bounds = array<i64: 2, 16>, scalar_prefetch = 0 : i64, scratch_operands = 3 : i64, tpu.core_type = #tpu.core_type<sc_vector_subcore>, window_params = [{transform_indices = #map}, {transform_indices = #map}, {transform_indices = #map1}]} {
    %mul3A = arith.constant 2 : i32
    %mul3A_0 = arith.muli %arg1, %mul3A : i32
    %add3A = arith.addi %mul3A_0, %arg0 : i32
    %mul3A_1 = arith.constant 632 : i32
    %mul3A_2 = arith.muli %arg1, %mul3A_1 : i32
    %mul3A_3 = arith.constant 632 : i32
    %mul3A_4 = arith.muli %arg1, %mul3A_3 : i32
    "tpu.region"() ({
      %run_scoped3A = tpu.sem_alloc : memref<!tpu.dma_semaphore, #tpu.memory_space<semaphore_mem>>
      %dma_start3A = arith.constant 0 : i32
      %dma_start3A_21 = tpu.memref_slice %arg7[%mul3A_4, %dma_start3A] : memref<10112x16xf32, #tpu.memory_space<vmem_shared>> -> memref<632x16xf32, #tpu.memory_space<vmem_shared>>
      %dma_start3A_22 = arith.constant 0 : i32
      %dma_start3A_23 = tpu.memref_slice %arg3[%mul3A_2, %dma_start3A_22] : memref<10112x16xf32, #tpu.memory_space<hbm>> -> memref<632x16xf32, #tpu.memory_space<hbm>>
      tpu.enqueue_dma source(%dma_start3A_23 : memref<632x16xf32, #tpu.memory_space<hbm>>) target(%dma_start3A_21 : memref<632x16xf32, #tpu.memory_space<vmem_shared>>) target_semaphore(%run_scoped3A : memref<!tpu.dma_semaphore, #tpu.memory_space<semaphore_mem>>)
      %dma_wait3A = arith.constant 0 : i32
      %dma_wait3A_24 = tpu.memref_slice %arg7[%mul3A_4, %dma_wait3A] : memref<10112x16xf32, #tpu.memory_space<vmem_shared>> -> memref<632x16xf32, #tpu.memory_space<vmem_shared>>
      %dma_wait3A_25 = arith.constant 0 : i32
      %dma_wait3A_26 = tpu.memref_slice %arg3[%mul3A_2, %dma_wait3A_25] : memref<10112x16xf32, #tpu.memory_space<hbm>> -> memref<632x16xf32, #tpu.memory_space<hbm>>
      tpu.wait_dma2 semaphore(%run_scoped3A : memref<!tpu.dma_semaphore, #tpu.memory_space<semaphore_mem>>) src(%dma_wait3A_26 : memref<632x16xf32, #tpu.memory_space<hbm>>) dst(%dma_wait3A_24 : memref<632x16xf32, #tpu.memory_space<vmem_shared>>)
      tpu.yield
    }) : () -> ()
    %mul3A_5 = arith.constant 80 : i32
    %mul3A_6 = arith.muli %add3A, %mul3A_5 : i32
    "tpu.region"() ({
      %run_scoped3A = tpu.sem_alloc : memref<!tpu.dma_semaphore, #tpu.memory_space<semaphore_mem>>
      %dma_start3A = arith.constant 0 : i32
      %dma_start3A_21 = tpu.memref_slice %arg2[%mul3A_6, %dma_start3A] : memref<2560x128xi32, #tpu.memory_space<hbm>> -> memref<80x128xi32, #tpu.memory_space<hbm>>
      %dma_start3A_22 = arith.constant 0 : i32
      %dma_start3A_23 = tpu.memref_slice %arg2[%mul3A_6, %dma_start3A_22] : memref<2560x128xi32, #tpu.memory_space<hbm>> -> memref<80x128xi32, #tpu.memory_space<hbm>>
      tpu.enqueue_dma source(%dma_start3A_23 : memref<80x128xi32, #tpu.memory_space<hbm>>) target(%arg5 : memref<80x128xi32, #tpu.memory_space<vmem>>) target_semaphore(%run_scoped3A : memref<!tpu.dma_semaphore, #tpu.memory_space<semaphore_mem>>)
      %dma_wait3A = arith.constant 0 : i32
      %dma_wait3A_24 = tpu.memref_slice %arg2[%mul3A_6, %dma_wait3A] : memref<2560x128xi32, #tpu.memory_space<hbm>> -> memref<80x128xi32, #tpu.memory_space<hbm>>
      %dma_wait3A_25 = arith.constant 0 : i32
      %dma_wait3A_26 = tpu.memref_slice %arg2[%mul3A_6, %dma_wait3A_25] : memref<2560x128xi32, #tpu.memory_space<hbm>> -> memref<80x128xi32, #tpu.memory_space<hbm>>
      tpu.wait_dma2 semaphore(%run_scoped3A : memref<!tpu.dma_semaphore, #tpu.memory_space<semaphore_mem>>) src(%dma_wait3A_26 : memref<80x128xi32, #tpu.memory_space<hbm>>) dst(%arg5 : memref<80x128xi32, #tpu.memory_space<vmem>>)
      tpu.yield
    }) : () -> ()
    %scan3A = arith.constant 0 : i32
    %scan3A_7 = arith.constant 128 : i32
    %scan3A_8 = arith.addi %scan3A, %scan3A_7 : i32
    %scan3A_9 = arith.constant 1 : i32
    scf.for %scan3A_21 = %scan3A to %scan3A_8 step %scan3A_9  : i32 {
      %mul3A_22 = arith.constant 1 : i32
      %mul3A_23 = arith.muli %scan3A_21, %mul3A_22 : i32
      %add3A_24 = arith.constant 0 : i32
      %add3A_25 = arith.addi %add3A_24, %mul3A_23 : i32
      %broadcast_in_dim3A = arith.constant 1.000000e+00 : f32
      %broadcast_in_dim3A_26 = vector.broadcast %broadcast_in_dim3A : f32 to vector<16xf32>
      %swap3A = arith.index_cast %add3A_25 : i32 to index
      %swap3A_27 = arith.constant 0 : index
      %swap3A_28 = tpu.vector_load %arg6[%swap3A, %swap3A_27] {strides = array<i32>} : memref<128x16xf32, #tpu.memory_space<vmem>>, vector<1x16xf32>,
      %swap3A_29 = vector.shape_cast %swap3A_28 : vector<1x16xf32> to vector<16xf32>
      %swap3A_30 = vector.shape_cast %broadcast_in_dim3A_26 : vector<16xf32> to vector<1x16xf32>
      tpu.vector_store %arg6[%swap3A, %swap3A_27], %swap3A_30 {strides = array<i32>} : memref<128x16xf32, #tpu.memory_space<vmem>>, vector<1x16xf32>,
    }
    %scan3A_10 = arith.constant 128 : i32
    %barrier3A = arith.constant 0 : index
    tpu.barrier barrier_id(%barrier3A)
    %scan3A_11 = arith.constant 0 : i32
    %scan3A_12 = arith.constant 80 : i32
    %scan3A_13 = arith.addi %scan3A_11, %scan3A_12 : i32
    %scan3A_14 = arith.constant 1 : i32
    scf.for %scan3A_21 = %scan3A_11 to %scan3A_13 step %scan3A_14  : i32 {
      %mul3A_22 = arith.constant 1 : i32
      %mul3A_23 = arith.muli %scan3A_21, %mul3A_22 : i32
      %add3A_24 = arith.constant 0 : i32
      %add3A_25 = arith.addi %add3A_24, %mul3A_23 : i32
      "tpu.region"() ({
        %run_scoped3A = tpu.sem_alloc : memref<!tpu.dma_semaphore, #tpu.memory_space<semaphore_mem>>
        %dma_start3A = arith.constant 0 : i32
        %dma_start3A_26 = tpu.memref_slice %arg5[%add3A_25, %dma_start3A] : memref<80x128xi32, #tpu.memory_space<vmem>> -> memref<1x128xi32, #tpu.memory_space<vmem>>
        %dma_start3A_27 = tpu.memref_squeeze %dma_start3A_26 : memref<1x128xi32, #tpu.memory_space<vmem>> -> memref<128xi32, #tpu.memory_space<vmem>>
        %dma_start3A_28 = arith.constant 0 : i32
        %dma_start3A_29 = arith.constant 0 : i32
        %dma_start3A_30 = tpu.memref_slice %arg7[%dma_start3A_28, %dma_start3A_29] : memref<10112x16xf32, #tpu.memory_space<vmem_shared>> -> memref<10112x16xf32, #tpu.memory_space<vmem_shared>>
        tpu.enqueue_indirect_dma source(%arg6 : memref<128x16xf32, #tpu.memory_space<vmem>>) target(%dma_start3A_30 : memref<10112x16xf32, #tpu.memory_space<vmem_shared>>) offsets(%dma_start3A_27 : memref<128xi32, #tpu.memory_space<vmem>>) semaphore(%run_scoped3A : memref<!tpu.dma_semaphore, #tpu.memory_space<semaphore_mem>>) {add = true}
        %dma_wait3A = arith.constant 0 : i32
        %dma_wait3A_31 = tpu.memref_slice %arg5[%add3A_25, %dma_wait3A] : memref<80x128xi32, #tpu.memory_space<vmem>> -> memref<1x128xi32, #tpu.memory_space<vmem>>
        %dma_wait3A_32 = tpu.memref_squeeze %dma_wait3A_31 : memref<1x128xi32, #tpu.memory_space<vmem>> -> memref<128xi32, #tpu.memory_space<vmem>>
        %dma_wait3A_33 = arith.constant 0 : i32
        %dma_wait3A_34 = arith.constant 0 : i32
        %dma_wait3A_35 = tpu.memref_slice %arg7[%dma_wait3A_33, %dma_wait3A_34] : memref<10112x16xf32, #tpu.memory_space<vmem_shared>> -> memref<10112x16xf32, #tpu.memory_space<vmem_shared>>
        tpu.wait_indirect_dma semaphore(%run_scoped3A : memref<!tpu.dma_semaphore, #tpu.memory_space<semaphore_mem>>) src(%arg6 : memref<128x16xf32, #tpu.memory_space<vmem>>) dst(%dma_wait3A_35 : memref<10112x16xf32, #tpu.memory_space<vmem_shared>>)
        tpu.yield
      }) : () -> ()
    }
    %scan3A_15 = arith.constant 80 : i32
    %barrier3A_16 = arith.constant 0 : index
    tpu.barrier barrier_id(%barrier3A_16)
    %mul3A_17 = arith.constant 632 : i32
    %mul3A_18 = arith.muli %arg1, %mul3A_17 : i32
    %mul3A_19 = arith.constant 632 : i32
    %mul3A_20 = arith.muli %arg1, %mul3A_19 : i32
    "tpu.region"() ({
      %run_scoped3A = tpu.sem_alloc : memref<!tpu.dma_semaphore, #tpu.memory_space<semaphore_mem>>
      %dma_start3A = arith.constant 0 : i32
      %dma_start3A_21 = tpu.memref_slice %arg4[%arg0, %mul3A_20, %dma_start3A] : memref<2x10112x16xf32, #tpu.memory_space<hbm>> -> memref<1x632x16xf32, #tpu.memory_space<hbm>>
      %dma_start3A_22 = tpu.memref_squeeze %dma_start3A_21 : memref<1x632x16xf32, #tpu.memory_space<hbm>> -> memref<632x16xf32, #tpu.memory_space<hbm>>
      %dma_start3A_23 = arith.constant 0 : i32
      %dma_start3A_24 = tpu.memref_slice %arg7[%mul3A_18, %dma_start3A_23] : memref<10112x16xf32, #tpu.memory_space<vmem_shared>> -> memref<632x16xf32, #tpu.memory_space<vmem_shared>>
      tpu.enqueue_dma source(%dma_start3A_24 : memref<632x16xf32, #tpu.memory_space<vmem_shared>>) target(%dma_start3A_22 : memref<632x16xf32, #tpu.memory_space<hbm>>) target_semaphore(%run_scoped3A : memref<!tpu.dma_semaphore, #tpu.memory_space<semaphore_mem>>)
      %dma_wait3A = arith.constant 0 : i32
      %dma_wait3A_25 = tpu.memref_slice %arg4[%arg0, %mul3A_20, %dma_wait3A] : memref<2x10112x16xf32, #tpu.memory_space<hbm>> -> memref<1x632x16xf32, #tpu.memory_space<hbm>>
      %dma_wait3A_26 = tpu.memref_squeeze %dma_wait3A_25 : memref<1x632x16xf32, #tpu.memory_space<hbm>> -> memref<632x16xf32, #tpu.memory_space<hbm>>
      %dma_wait3A_27 = arith.constant 0 : i32
      %dma_wait3A_28 = tpu.memref_slice %arg7[%mul3A_18, %dma_wait3A_27] : memref<10112x16xf32, #tpu.memory_space<vmem_shared>> -> memref<632x16xf32, #tpu.memory_space<vmem_shared>>
      tpu.wait_dma2 semaphore(%run_scoped3A : memref<!tpu.dma_semaphore, #tpu.memory_space<semaphore_mem>>) src(%dma_wait3A_28 : memref<632x16xf32, #tpu.memory_space<vmem_shared>>) dst(%dma_wait3A_26 : memref<632x16xf32, #tpu.memory_space<hbm>>)
      tpu.yield
    }) : () -> ()
    return
  }
}

module attributes {stable_mosaic.version = 14 : i64} {
  func.func @_tc1_body(%arg0: i32, %arg1: memref<1000x128xf32, #tpu.memory_space<vmem>>, %arg2: memref<128x128xf32, #tpu.memory_space<vmem>>, %arg3: memref<2x1000x16xf32, #tpu.memory_space<vmem>>, %arg4: memref<1000x128xf32, #tpu.memory_space<vmem>>, %arg5: memref<1000x1xf32, #tpu.memory_space<vmem>>) attributes {dimension_semantics = [#tpu.dimension_semantics<arbitrary>], iteration_bounds = array<i64: 10>, scalar_prefetch = 0 : i64, scratch_operands = 0 : i64, tpu.core_type = #tpu.core_type<tc>, window_params = [{transform_indices = @transform_0, window_bounds = array<i64: 1000, 128>}, {pipeline_mode = #tpu.pipeline_mode<synchronous>, transform_indices = @transform_1, window_bounds = array<i64: 128, 128>}, {transform_indices = @transform_2, window_bounds = array<i64: 2, 1000, 16>}, {transform_indices = @transform_3, window_bounds = array<i64: 1000, 128>}, {transform_indices = @transform_4, window_bounds = array<i64: 1000, 1>}]} {
    %get3A = arith.constant 0 : index
    %get3A_0 = arith.constant 0 : index
    %get3A_1 = arith.constant 0 : index
    %get3A_2 = vector.load %arg3[%get3A, %get3A_0, %get3A_1] : memref<2x1000x16xf32, #tpu.memory_space<vmem>>, vector<1x1000x1xf32>
    %get3A_3 = vector.shape_cast %get3A_2 : vector<1x1000x1xf32> to vector<1000x1xf32>
    %get3A_4 = arith.constant 1 : index
    %get3A_5 = arith.constant 0 : index
    %get3A_6 = arith.constant 0 : index
    %get3A_7 = vector.load %arg3[%get3A_4, %get3A_5, %get3A_6] : memref<2x1000x16xf32, #tpu.memory_space<vmem>>, vector<1x1000x1xf32>
    %get3A_8 = vector.shape_cast %get3A_7 : vector<1x1000x1xf32> to vector<1000x1xf32>
    %add3A = arith.addf %get3A_3, %get3A_8 : vector<1000x1xf32>
    %add3A_9 = arith.constant 1.000000e+00 : f32
    %add3A_10 = vector.broadcast %add3A_9 : f32 to vector<1000x1xf32>
    %add3A_11 = arith.addf %add3A, %add3A_10 : vector<1000x1xf32>
    %rsqrt3A = math.rsqrt %add3A_11 : vector<1000x1xf32>
    %get3A_12 = arith.constant 0 : index
    %get3A_13 = arith.constant 0 : index
    %get3A_14 = vector.load %arg1[%get3A_12, %get3A_13] : memref<1000x128xf32, #tpu.memory_space<vmem>>, vector<1000x128xf32>
    %get3A_15 = arith.constant 0 : index
    %get3A_16 = arith.constant 0 : index
    %get3A_17 = vector.load %arg2[%get3A_15, %get3A_16] : memref<128x128xf32, #tpu.memory_space<vmem>>, vector<128x128xf32>
    %dot_general3A = arith.constant dense<0.000000e+00> : vector<1000x128xf32>
    %dot_general3A_18 = tpu.matmul %get3A_14, %get3A_17, %dot_general3A {dimension_numbers = #tpu.dot_dimension_numbers<[1], [0], [0], [1], [0, 0, 1, 1], [], []>, transpose_lhs_hint = false} : vector<1000x128xf32>, vector<128x128xf32>, vector<1000x128xf32> -> vector<1000x128xf32>
    %mul3A = vector.broadcast %rsqrt3A : vector<1000x1xf32> to vector<1000x128xf32>
    %mul3A_19 = arith.mulf %mul3A, %dot_general3A_18 : vector<1000x128xf32>
    %swap3A = arith.constant 0 : index
    %swap3A_20 = arith.constant 0 : index
    %swap3A_21 = vector.load %arg4[%swap3A, %swap3A_20] : memref<1000x128xf32, #tpu.memory_space<vmem>>, vector<1000x128xf32>
    tpu.vector_store %arg4[%swap3A, %swap3A_20], %mul3A_19 {strides = array<i32>} : memref<1000x128xf32, #tpu.memory_space<vmem>>, vector<1000x128xf32>,
    %swap3A_22 = arith.constant 0 : index
    %swap3A_23 = arith.constant 0 : index
    %swap3A_24 = vector.load %arg5[%swap3A_22, %swap3A_23] : memref<1000x1xf32, #tpu.memory_space<vmem>>, vector<1000x1xf32>
    tpu.vector_store %arg5[%swap3A_22, %swap3A_23], %rsqrt3A {strides = array<i32>} : memref<1000x1xf32, #tpu.memory_space<vmem>>, vector<1000x1xf32>,
    return
  }
  func.func @transform_0(%arg0: i32) -> (i32, i32) {
    %c0_i32 = arith.constant 0 : i32
    %c0_i32_0 = arith.constant 0 : i32
    return %arg0, %c0_i32 : i32, i32
  }
  func.func @transform_1(%arg0: i32) -> (i32, i32) {
    %c0_i32 = arith.constant 0 : i32
    %c0_i32_0 = arith.constant 0 : i32
    %c0_i32_1 = arith.constant 0 : i32
    return %c0_i32, %c0_i32_0 : i32, i32
  }
  func.func @transform_2(%arg0: i32) -> (i32, i32, i32) {
    %c0_i32 = arith.constant 0 : i32
    %c0_i32_0 = arith.constant 0 : i32
    %c0_i32_1 = arith.constant 0 : i32
    return %c0_i32, %arg0, %c0_i32_0 : i32, i32, i32
  }
  func.func @transform_3(%arg0: i32) -> (i32, i32) {
    %c0_i32 = arith.constant 0 : i32
    %c0_i32_0 = arith.constant 0 : i32
    return %arg0, %c0_i32 : i32, i32
  }
  func.func @transform_4(%arg0: i32) -> (i32, i32) {
    %c0_i32 = arith.constant 0 : i32
    %c0_i32_0 = arith.constant 0 : i32
    return %arg0, %c0_i32 : i32, i32
  }
}

module attributes {stable_mosaic.version = 14 : i64} {
  func.func @_tc_mid_body(%arg0: i32, %arg1: memref<2x1000x128xf32, #tpu.memory_space<vmem>>, %arg2: memref<1000x128xf32, #tpu.memory_space<vmem>>, %arg3: memref<1000x1xf32, #tpu.memory_space<vmem>>, %arg4: memref<1x128xf32, #tpu.memory_space<vmem>>, %arg5: memref<128x128xf32, #tpu.memory_space<vmem>>, %arg6: memref<1000x128xf32, #tpu.memory_space<vmem>>) attributes {dimension_semantics = [#tpu.dimension_semantics<arbitrary>], iteration_bounds = array<i64: 10>, scalar_prefetch = 0 : i64, scratch_operands = 0 : i64, tpu.core_type = #tpu.core_type<tc>, window_params = [{transform_indices = @transform_0, window_bounds = array<i64: 2, 1000, 128>}, {transform_indices = @transform_1, window_bounds = array<i64: 1000, 128>}, {transform_indices = @transform_2, window_bounds = array<i64: 1000, 1>}, {pipeline_mode = #tpu.pipeline_mode<synchronous>, transform_indices = @transform_3, window_bounds = array<i64: 1, 128>}, {pipeline_mode = #tpu.pipeline_mode<synchronous>, transform_indices = @transform_4, window_bounds = array<i64: 128, 128>}, {transform_indices = @transform_5, window_bounds = array<i64: 1000, 128>}]} {
    %get3A = arith.constant 0 : index
    %get3A_0 = arith.constant 0 : index
    %get3A_1 = vector.load %arg3[%get3A, %get3A_0] : memref<1000x1xf32, #tpu.memory_space<vmem>>, vector<1000x1xf32>
    %get3A_2 = arith.constant 0 : index
    %get3A_3 = arith.constant 0 : index
    %get3A_4 = arith.constant 0 : index
    %get3A_5 = vector.load %arg1[%get3A_2, %get3A_3, %get3A_4] : memref<2x1000x128xf32, #tpu.memory_space<vmem>>, vector<1x1000x128xf32>
    %get3A_6 = vector.shape_cast %get3A_5 : vector<1x1000x128xf32> to vector<1000x128xf32>
    %get3A_7 = arith.constant 1 : index
    %get3A_8 = arith.constant 0 : index
    %get3A_9 = arith.constant 0 : index
    %get3A_10 = vector.load %arg1[%get3A_7, %get3A_8, %get3A_9] : memref<2x1000x128xf32, #tpu.memory_space<vmem>>, vector<1x1000x128xf32>
    %get3A_11 = vector.shape_cast %get3A_10 : vector<1x1000x128xf32> to vector<1000x128xf32>
    %add3A = arith.addf %get3A_6, %get3A_11 : vector<1000x128xf32>
    %get3A_12 = arith.constant 0 : index
    %get3A_13 = arith.constant 0 : index
    %get3A_14 = vector.load %arg2[%get3A_12, %get3A_13] : memref<1000x128xf32, #tpu.memory_space<vmem>>, vector<1000x128xf32>
    %add3A_15 = arith.addf %add3A, %get3A_14 : vector<1000x128xf32>
    %mul3A = vector.broadcast %get3A_1 : vector<1000x1xf32> to vector<1000x128xf32>
    %mul3A_16 = arith.mulf %mul3A, %add3A_15 : vector<1000x128xf32>
    %get3A_17 = arith.constant 0 : index
    %get3A_18 = arith.constant 0 : index
    %get3A_19 = vector.load %arg4[%get3A_17, %get3A_18] : memref<1x128xf32, #tpu.memory_space<vmem>>, vector<1x128xf32>
    %add3A_20 = vector.broadcast %get3A_19 : vector<1x128xf32> to vector<1000x128xf32>
    %add3A_21 = arith.addf %mul3A_16, %add3A_20 : vector<1000x128xf32>
    %max3A = arith.constant 0.000000e+00 : f32
    %max3A_22 = vector.broadcast %max3A : f32 to vector<1000x128xf32>
    %max3A_23 = arith.maximumf %add3A_21, %max3A_22 : vector<1000x128xf32>
    %get3A_24 = arith.constant 0 : index
    %get3A_25 = arith.constant 0 : index
    %get3A_26 = vector.load %arg5[%get3A_24, %get3A_25] : memref<128x128xf32, #tpu.memory_space<vmem>>, vector<128x128xf32>
    %dot_general3A = arith.constant dense<0.000000e+00> : vector<1000x128xf32>
    %dot_general3A_27 = tpu.matmul %max3A_23, %get3A_26, %dot_general3A {dimension_numbers = #tpu.dot_dimension_numbers<[1], [0], [0], [1], [0, 0, 1, 1], [], []>, transpose_lhs_hint = false} : vector<1000x128xf32>, vector<128x128xf32>, vector<1000x128xf32> -> vector<1000x128xf32>
    %mul3A_28 = vector.broadcast %get3A_1 : vector<1000x1xf32> to vector<1000x128xf32>
    %mul3A_29 = arith.mulf %mul3A_28, %dot_general3A_27 : vector<1000x128xf32>
    %swap3A = arith.constant 0 : index
    %swap3A_30 = arith.constant 0 : index
    %swap3A_31 = vector.load %arg6[%swap3A, %swap3A_30] : memref<1000x128xf32, #tpu.memory_space<vmem>>, vector<1000x128xf32>
    tpu.vector_store %arg6[%swap3A, %swap3A_30], %mul3A_29 {strides = array<i32>} : memref<1000x128xf32, #tpu.memory_space<vmem>>, vector<1000x128xf32>,
    return
  }
  func.func @transform_0(%arg0: i32) -> (i32, i32, i32) {
    %c0_i32 = arith.constant 0 : i32
    %c0_i32_0 = arith.constant 0 : i32
    %c0_i32_1 = arith.constant 0 : i32
    return %c0_i32, %arg0, %c0_i32_0 : i32, i32, i32
  }
  func.func @transform_1(%arg0: i32) -> (i32, i32) {
    %c0_i32 = arith.constant 0 : i32
    %c0_i32_0 = arith.constant 0 : i32
    return %arg0, %c0_i32 : i32, i32
  }
  func.func @transform_2(%arg0: i32) -> (i32, i32) {
    %c0_i32 = arith.constant 0 : i32
    %c0_i32_0 = arith.constant 0 : i32
    return %arg0, %c0_i32 : i32, i32
  }
  func.func @transform_3(%arg0: i32) -> (i32, i32) {
    %c0_i32 = arith.constant 0 : i32
    %c0_i32_0 = arith.constant 0 : i32
    %c0_i32_1 = arith.constant 0 : i32
    return %c0_i32, %c0_i32_0 : i32, i32
  }
  func.func @transform_4(%arg0: i32) -> (i32, i32) {
    %c0_i32 = arith.constant 0 : i32
    %c0_i32_0 = arith.constant 0 : i32
    %c0_i32_1 = arith.constant 0 : i32
    return %c0_i32, %c0_i32_0 : i32, i32
  }
  func.func @transform_5(%arg0: i32) -> (i32, i32) {
    %c0_i32 = arith.constant 0 : i32
    %c0_i32_0 = arith.constant 0 : i32
    return %arg0, %c0_i32 : i32, i32
  }
}

module attributes {stable_mosaic.version = 14 : i64} {
  func.func @_tc_q3_body(%arg0: i32, %arg1: memref<2x1000x128xf32, #tpu.memory_space<vmem>>, %arg2: memref<1000x128xf32, #tpu.memory_space<vmem>>, %arg3: memref<1000x1xf32, #tpu.memory_space<vmem>>, %arg4: memref<1x128xf32, #tpu.memory_space<vmem>>, %arg5: memref<1000x128xf32, #tpu.memory_space<vmem>>) attributes {dimension_semantics = [#tpu.dimension_semantics<arbitrary>], iteration_bounds = array<i64: 10>, scalar_prefetch = 0 : i64, scratch_operands = 0 : i64, tpu.core_type = #tpu.core_type<tc>, window_params = [{transform_indices = @transform_0, window_bounds = array<i64: 2, 1000, 128>}, {transform_indices = @transform_1, window_bounds = array<i64: 1000, 128>}, {transform_indices = @transform_2, window_bounds = array<i64: 1000, 1>}, {pipeline_mode = #tpu.pipeline_mode<synchronous>, transform_indices = @transform_3, window_bounds = array<i64: 1, 128>}, {transform_indices = @transform_4, window_bounds = array<i64: 1000, 128>}]} {
    %get3A = arith.constant 0 : index
    %get3A_0 = arith.constant 0 : index
    %get3A_1 = vector.load %arg3[%get3A, %get3A_0] : memref<1000x1xf32, #tpu.memory_space<vmem>>, vector<1000x1xf32>
    %get3A_2 = arith.constant 0 : index
    %get3A_3 = arith.constant 0 : index
    %get3A_4 = arith.constant 0 : index
    %get3A_5 = vector.load %arg1[%get3A_2, %get3A_3, %get3A_4] : memref<2x1000x128xf32, #tpu.memory_space<vmem>>, vector<1x1000x128xf32>
    %get3A_6 = vector.shape_cast %get3A_5 : vector<1x1000x128xf32> to vector<1000x128xf32>
    %get3A_7 = arith.constant 1 : index
    %get3A_8 = arith.constant 0 : index
    %get3A_9 = arith.constant 0 : index
    %get3A_10 = vector.load %arg1[%get3A_7, %get3A_8, %get3A_9] : memref<2x1000x128xf32, #tpu.memory_space<vmem>>, vector<1x1000x128xf32>
    %get3A_11 = vector.shape_cast %get3A_10 : vector<1x1000x128xf32> to vector<1000x128xf32>
    %add3A = arith.addf %get3A_6, %get3A_11 : vector<1000x128xf32>
    %get3A_12 = arith.constant 0 : index
    %get3A_13 = arith.constant 0 : index
    %get3A_14 = vector.load %arg2[%get3A_12, %get3A_13] : memref<1000x128xf32, #tpu.memory_space<vmem>>, vector<1000x128xf32>
    %add3A_15 = arith.addf %add3A, %get3A_14 : vector<1000x128xf32>
    %mul3A = vector.broadcast %get3A_1 : vector<1000x1xf32> to vector<1000x128xf32>
    %mul3A_16 = arith.mulf %mul3A, %add3A_15 : vector<1000x128xf32>
    %get3A_17 = arith.constant 0 : index
    %get3A_18 = arith.constant 0 : index
    %get3A_19 = vector.load %arg4[%get3A_17, %get3A_18] : memref<1x128xf32, #tpu.memory_space<vmem>>, vector<1x128xf32>
    %add3A_20 = vector.broadcast %get3A_19 : vector<1x128xf32> to vector<1000x128xf32>
    %add3A_21 = arith.addf %mul3A_16, %add3A_20 : vector<1000x128xf32>
    %max3A = arith.constant 0.000000e+00 : f32
    %max3A_22 = vector.broadcast %max3A : f32 to vector<1000x128xf32>
    %max3A_23 = arith.maximumf %add3A_21, %max3A_22 : vector<1000x128xf32>
    %mul3A_24 = vector.broadcast %get3A_1 : vector<1000x1xf32> to vector<1000x128xf32>
    %mul3A_25 = arith.mulf %mul3A_24, %max3A_23 : vector<1000x128xf32>
    %swap3A = arith.constant 0 : index
    %swap3A_26 = arith.constant 0 : index
    %swap3A_27 = vector.load %arg5[%swap3A, %swap3A_26] : memref<1000x128xf32, #tpu.memory_space<vmem>>, vector<1000x128xf32>
    tpu.vector_store %arg5[%swap3A, %swap3A_26], %mul3A_25 {strides = array<i32>} : memref<1000x128xf32, #tpu.memory_space<vmem>>, vector<1000x128xf32>,
    return
  }
  func.func @transform_0(%arg0: i32) -> (i32, i32, i32) {
    %c0_i32 = arith.constant 0 : i32
    %c0_i32_0 = arith.constant 0 : i32
    %c0_i32_1 = arith.constant 0 : i32
    return %c0_i32, %arg0, %c0_i32_0 : i32, i32, i32
  }
  func.func @transform_1(%arg0: i32) -> (i32, i32) {
    %c0_i32 = arith.constant 0 : i32
    %c0_i32_0 = arith.constant 0 : i32
    return %arg0, %c0_i32 : i32, i32
  }
  func.func @transform_2(%arg0: i32) -> (i32, i32) {
    %c0_i32 = arith.constant 0 : i32
    %c0_i32_0 = arith.constant 0 : i32
    return %arg0, %c0_i32 : i32, i32
  }
  func.func @transform_3(%arg0: i32) -> (i32, i32) {
    %c0_i32 = arith.constant 0 : i32
    %c0_i32_0 = arith.constant 0 : i32
    %c0_i32_1 = arith.constant 0 : i32
    return %c0_i32, %c0_i32_0 : i32, i32
  }
  func.func @transform_4(%arg0: i32) -> (i32, i32) {
    %c0_i32 = arith.constant 0 : i32
    %c0_i32_0 = arith.constant 0 : i32
    return %arg0, %c0_i32 : i32, i32
  }
}

module attributes {stable_mosaic.version = 14 : i64} {
  func.func @_tc_final_body(%arg0: i32, %arg1: memref<2x1000x128xf32, #tpu.memory_space<vmem>>, %arg2: memref<1000x128xf32, #tpu.memory_space<vmem>>, %arg3: memref<1000x1xf32, #tpu.memory_space<vmem>>, %arg4: memref<1x64xf32, #tpu.memory_space<vmem>>, %arg5: memref<128x64xf32, #tpu.memory_space<vmem>>, %arg6: memref<1000x64xf32, #tpu.memory_space<vmem>>) attributes {dimension_semantics = [#tpu.dimension_semantics<arbitrary>], iteration_bounds = array<i64: 10>, scalar_prefetch = 0 : i64, scratch_operands = 0 : i64, tpu.core_type = #tpu.core_type<tc>, window_params = [{transform_indices = @transform_0, window_bounds = array<i64: 2, 1000, 128>}, {transform_indices = @transform_1, window_bounds = array<i64: 1000, 128>}, {transform_indices = @transform_2, window_bounds = array<i64: 1000, 1>}, {pipeline_mode = #tpu.pipeline_mode<synchronous>, transform_indices = @transform_3, window_bounds = array<i64: 1, 64>}, {pipeline_mode = #tpu.pipeline_mode<synchronous>, transform_indices = @transform_4, window_bounds = array<i64: 128, 64>}, {transform_indices = @transform_5, window_bounds = array<i64: 1000, 64>}]} {
    %get3A = arith.constant 0 : index
    %get3A_0 = arith.constant 0 : index
    %get3A_1 = vector.load %arg3[%get3A, %get3A_0] : memref<1000x1xf32, #tpu.memory_space<vmem>>, vector<1000x1xf32>
    %get3A_2 = arith.constant 0 : index
    %get3A_3 = arith.constant 0 : index
    %get3A_4 = arith.constant 0 : index
    %get3A_5 = vector.load %arg1[%get3A_2, %get3A_3, %get3A_4] : memref<2x1000x128xf32, #tpu.memory_space<vmem>>, vector<1x1000x128xf32>
    %get3A_6 = vector.shape_cast %get3A_5 : vector<1x1000x128xf32> to vector<1000x128xf32>
    %get3A_7 = arith.constant 1 : index
    %get3A_8 = arith.constant 0 : index
    %get3A_9 = arith.constant 0 : index
    %get3A_10 = vector.load %arg1[%get3A_7, %get3A_8, %get3A_9] : memref<2x1000x128xf32, #tpu.memory_space<vmem>>, vector<1x1000x128xf32>
    %get3A_11 = vector.shape_cast %get3A_10 : vector<1x1000x128xf32> to vector<1000x128xf32>
    %add3A = arith.addf %get3A_6, %get3A_11 : vector<1000x128xf32>
    %get3A_12 = arith.constant 0 : index
    %get3A_13 = arith.constant 0 : index
    %get3A_14 = vector.load %arg2[%get3A_12, %get3A_13] : memref<1000x128xf32, #tpu.memory_space<vmem>>, vector<1000x128xf32>
    %add3A_15 = arith.addf %add3A, %get3A_14 : vector<1000x128xf32>
    %mul3A = vector.broadcast %get3A_1 : vector<1000x1xf32> to vector<1000x128xf32>
    %mul3A_16 = arith.mulf %mul3A, %add3A_15 : vector<1000x128xf32>
    %get3A_17 = arith.constant 0 : index
    %get3A_18 = arith.constant 0 : index
    %get3A_19 = vector.load %arg5[%get3A_17, %get3A_18] : memref<128x64xf32, #tpu.memory_space<vmem>>, vector<128x64xf32>
    %dot_general3A = arith.constant dense<0.000000e+00> : vector<1000x64xf32>
    %dot_general3A_20 = tpu.matmul %mul3A_16, %get3A_19, %dot_general3A {dimension_numbers = #tpu.dot_dimension_numbers<[1], [0], [0], [1], [0, 0, 1, 1], [], []>, transpose_lhs_hint = false} : vector<1000x128xf32>, vector<128x64xf32>, vector<1000x64xf32> -> vector<1000x64xf32>
    %get3A_21 = arith.constant 0 : index
    %get3A_22 = arith.constant 0 : index
    %get3A_23 = vector.load %arg4[%get3A_21, %get3A_22] : memref<1x64xf32, #tpu.memory_space<vmem>>, vector<1x64xf32>
    %add3A_24 = vector.broadcast %get3A_23 : vector<1x64xf32> to vector<1000x64xf32>
    %add3A_25 = arith.addf %dot_general3A_20, %add3A_24 : vector<1000x64xf32>
    %swap3A = arith.constant 0 : index
    %swap3A_26 = arith.constant 0 : index
    %swap3A_27 = vector.load %arg6[%swap3A, %swap3A_26] : memref<1000x64xf32, #tpu.memory_space<vmem>>, vector<1000x64xf32>
    tpu.vector_store %arg6[%swap3A, %swap3A_26], %add3A_25 {strides = array<i32>} : memref<1000x64xf32, #tpu.memory_space<vmem>>, vector<1000x64xf32>,
    return
  }
  func.func @transform_0(%arg0: i32) -> (i32, i32, i32) {
    %c0_i32 = arith.constant 0 : i32
    %c0_i32_0 = arith.constant 0 : i32
    %c0_i32_1 = arith.constant 0 : i32
    return %c0_i32, %arg0, %c0_i32_0 : i32, i32, i32
  }
  func.func @transform_1(%arg0: i32) -> (i32, i32) {
    %c0_i32 = arith.constant 0 : i32
    %c0_i32_0 = arith.constant 0 : i32
    return %arg0, %c0_i32 : i32, i32
  }
  func.func @transform_2(%arg0: i32) -> (i32, i32) {
    %c0_i32 = arith.constant 0 : i32
    %c0_i32_0 = arith.constant 0 : i32
    return %arg0, %c0_i32 : i32, i32
  }
  func.func @transform_3(%arg0: i32) -> (i32, i32) {
    %c0_i32 = arith.constant 0 : i32
    %c0_i32_0 = arith.constant 0 : i32
    %c0_i32_1 = arith.constant 0 : i32
    return %c0_i32, %c0_i32_0 : i32, i32
  }
  func.func @transform_4(%arg0: i32) -> (i32, i32) {
    %c0_i32 = arith.constant 0 : i32
    %c0_i32_0 = arith.constant 0 : i32
    %c0_i32_1 = arith.constant 0 : i32
    return %c0_i32, %c0_i32_0 : i32, i32
  }
  func.func @transform_5(%arg0: i32) -> (i32, i32) {
    %c0_i32 = arith.constant 0 : i32
    %c0_i32_0 = arith.constant 0 : i32
    return %arg0, %c0_i32 : i32, i32
  }
}

</mosaic_0001>

<sc_bundles>
// kernel: kernel.10.cloned.1.call-start
scs
__scs_entry_jumppad:
0x0: {  	(pc) =	sbr.rel $0x88, $3  }
0x1: {  	(tag) =	ssettag $0x0;
	lr =	simm.s32 $0x1  }
0x2: {  	[smem:$0x3F99] =	sst lr;
	_ =	strace $0xD0000000  }
0x3: {  	_ = 	snop  }
0x4: {  	_ = 	snop  }
0x5: {  	_ = 	snop  }
0x6: {  	_ = 	snop  }
0x7: {  	_ = 	snop  }
__scs_overlays_trampoline_lowered:
0x8: {  	[smem:$0x3FA8] =	sst s0  }
0x9: {  	[smem:$0x3FA9] =	sst s1  }
0xa: {  	[smem:$0x3FAA] =	sst s2  }
0xb: {  	[smem:$0x3FAB] =	sst s3  }
0xc: {  	[smem:$0x3FAC] =	sst s4  }
0xd: {  	[smem:$0x3FAD] =	sst s5  }
0xe: {  	[smem:$0x3FAE] =	sst s6  }
0xf: {  	[smem:$0x3FAF] =	sst s7  }
0x10: {  	[smem:$0x3FB0] =	sst s8  }
0x11: {  	[smem:$0x3FB1] =	sst s9;
	s0 =	simm.s32 @!p0 $0x0  }
0x12: {  	s1 =	sld [smem:$0x3F97];
	s0 =	simm.s32 @p0 $0x1  }
0x13: {  	[smem:$0x3FB2] =	sst s0;
	s0 =	simm.s32 @!p1 $0x0  }
0x14: {  	s2 =	sld [smem:$0x3F96];
	s0 =	simm.s32 @p1 $0x1  }
0x15: {  	[smem:$0x3FB3] =	sst s0;
	s0 =	simm.s32 @!p2 $0x0  }
0x16: {  	s3 =	sld [smem:$0x3FDB];
	s0 =	simm.s32 @p2 $0x1  }
0x17: {  	s4 =	simm.s32 $0x1BF5;
	[smem:$0x3FB5] =	sst s0  }
0x18: {  	s0 =	sld [smem:$0x3F98];
	_ =	swait.ge [sflag:s4], $0x0  }
0x19: {  	s7 =	sld [smem:$0x3F99]  }
0x1a: {  	s8 =	sadd.s32 $0xFFFFE003, lr  }
0x1b: {  	s9 =	sadd.s32 $0xFFFFFEF7, lr;
	s5 =	simm.s32 $0xFFFFFFFF;
	p2 =	slt.u32 s8, $0xFFFFF086  }
0x1c: {  	p1 =	slt.u32 s9, $0xF7A;
	s5 =	simm.s32 @!p2 $0x0  }
0x1d: {  	s5 =	simm.s32 @p1 $0x1;
	p0 =	seq.s32 s7, s2  }
0x1e: {  	s7 =	smul.u32 @!p0 $0xF7A, s2;
	p2 =	seq.s32 @!p0 s5, $0x0  }
0x1f: {  	s9 =	smul.u32 $0xF7A, s1;
	s8 =	simm.s32 @!p0 $0x1BF5;
	p2 =	por !p2, p0  }
0x20: {  	[sflag:s8] =	ssyncset.s32 @!p0 $0xFFFFF086;
	s6 =	sadd.s32 @!p0 s3, s7;
	s7 =	simm.s32 @!p0 $0x108  }
0x21: {  	s3 =	sadd.s32 s3, s9;
	s6 =	sadd.s32 @!p0 $0x88, s6;
	s7 =	simm.s32 @p2 $0x1082  }
0x22: {  	[simem:s7], [sflag:s8] =	dma.local @!p0 [hbm:s6], $0xF7A  }
0x23: {  	s9 =	sor.u32 $0xD0000000, s2;
	s6 =	simm.s32 $0x108;
	_ =	swait.ge @!p0 [sflag:s8], $0x0  }
0x24: {  	s3 =	sadd.s32 $0x88, s3;
	s6 =	simm.s32 @!p1 $0x1082;
	[sflag:s4] =	ssyncset.s32 $0xFFFFF086  }
0x25: {  	[simem:s6], [sflag:s4] =	dma.local [hbm:s3], $0xF7A  }
0x26: {  	[smem:$0x3F99] =	sst s1;
	(tag) =	ssettag s2;
	_ =	strace s9  }
0x27: {  	s1 =	sld [smem:$0x3FA9]  }
0x28: {  	s2 =	sld [smem:$0x3FAA]  }
0x29: {  	s4 =	sld [smem:$0x3FAC]  }
0x2a: {  	p0 =	seq.s32 s5, $0x0;
	s5 =	sld [smem:$0x3FAD]  }
0x2b: {  	s6 =	sld [smem:$0x3FAE]  }
0x2c: {  	s7 =	sld [smem:$0x3FAF]  }
0x2d: {  	s3 =	simm.s32 $0x108;
	s8 =	sld [smem:$0x3FB0]  }
0x2e: {  	s3 =	simm.s32 @!p0 $0x1082;
	s9 =	sld [smem:$0x3FB1]  }
0x2f: {  	lr =	sadd.s32 s0, s3;
	s0 =	sld [smem:$0x3FA8]  }
0x30: {  	s3 =	sld [smem:$0x3FAB]  }
0x31: {  	[smem:$0x3FB4] =	sst s10  }
0x32: {  	s10 =	sld [smem:$0x3FB2];
	_ =	sdelay $0x3  }
0x33: {  	p0 =	seq.s32 s10, $0x1;
	s10 =	sld [smem:$0x3FB4];
	_ =	sdelay $0x3  }
0x34: {  	[smem:$0x3FB4] =	sst s10  }
0x35: {  	s10 =	sld [smem:$0x3FB3];
	_ =	sdelay $0x3  }
0x36: {  	p1 =	seq.s32 s10, $0x1;
	s10 =	sld [smem:$0x3FB4];
	_ =	sdelay $0x3  }
0x37: {  	[smem:$0x3FB4] =	sst s10  }
0x38: {  	s10 =	sld [smem:$0x3FB5]  }
0x39: {  	_ = 	snop;
	(pc) =	sbr.ind lr, $3  }
0x3a: {  	_ = 	snop  }
0x3b: {  	_ = 	snop  }
0x3c: {  	p2 =	seq.s32 s10, $0x1;
	s10 =	sld [smem:$0x3FB4]  }
0x3d: {  	_ =	shalt  }
0x3e: {  	_ =	shalt  }
0x3f: {  	_ =	shalt  }
0x40: {  	_ =	shalt  }
0x41: {  	_ =	shalt  }
0x42: {  	_ =	shalt  }
0x43: {  	_ =	shalt  }
0x44: {  	_ =	shalt  }
0x45: {  	_ =	shalt  }
0x46: {  	_ =	shalt  }
0x47: {  	_ =	shalt  }
0x48: {  	_ =	shalt  }
0x49: {  	_ =	shalt  }
0x4a: {  	_ =	shalt  }
0x4b: {  	_ =	shalt  }
0x4c: {  	_ =	shalt  }
0x4d: {  	_ =	shalt  }
0x4e: {  	_ =	shalt  }
0x4f: {  	_ =	shalt  }
0x50: {  	_ =	shalt  }
0x51: {  	_ =	shalt  }
0x52: {  	_ =	shalt  }
0x53: {  	_ =	shalt  }
0x54: {  	_ =	shalt  }
0x55: {  	_ =	shalt  }
0x56: {  	_ =	shalt  }
0x57: {  	_ =	shalt  }
0x58: {  	_ =	shalt  }
0x59: {  	_ =	shalt  }
0x5a: {  	_ =	shalt  }
0x5b: {  	_ =	shalt  }
0x5c: {  	_ =	shalt  }
0x5d: {  	_ =	shalt  }
0x5e: {  	_ =	shalt  }
0x5f: {  	_ =	shalt  }
0x60: {  	_ =	shalt  }
0x61: {  	_ =	shalt  }
0x62: {  	_ =	shalt  }
0x63: {  	_ =	shalt  }
0x64: {  	_ =	shalt  }
0x65: {  	_ =	shalt  }
0x66: {  	_ =	shalt  }
0x67: {  	_ =	shalt  }
0x68: {  	_ =	shalt  }
0x69: {  	_ =	shalt  }
0x6a: {  	_ =	shalt  }
0x6b: {  	_ =	shalt  }
0x6c: {  	_ =	shalt  }
0x6d: {  	_ =	shalt  }
0x6e: {  	_ =	shalt  }
0x6f: {  	_ =	shalt  }
0x70: {  	_ =	shalt  }
0x71: {  	_ =	shalt  }
0x72: {  	_ =	shalt  }
0x73: {  	_ =	shalt  }
0x74: {  	_ =	shalt  }
0x75: {  	_ =	shalt  }
0x76: {  	_ =	shalt  }
0x77: {  	_ =	shalt  }
0x78: {  	_ =	shalt  }
0x79: {  	_ =	shalt  }
0x7a: {  	_ =	shalt  }
0x7b: {  	_ =	shalt  }
0x7c: {  	_ =	shalt  }
0x7d: {  	_ =	shalt  }
0x7e: {  	_ =	shalt  }
0x7f: {  	_ =	shalt  }
0x80: {  	_ =	shalt  }
0x81: {  	_ =	shalt  }
0x82: {  	_ =	shalt  }
0x83: {  	_ =	shalt  }
0x84: {  	_ =	shalt  }
0x85: {  	_ =	shalt  }
0x86: {  	_ =	shalt  }
0x87: {  	_ =	shalt  }
.Lfunc_end0:
.L_simem_size_0:
called_computation_lowered:
.L_overlay_start_0:
0x88: {  	s2 =	sld [smem:$0x3FD9]  }
0x89: {  	s3 =	sld [smem:$0x3FFE];
	_ =	sdelay $0x1  }
0x8a: {  	s1 =	srdreg.scid  }
0x8b: {  	s0 =	sand.u32 $0x1, s1  }
0x8c: {  	s16 =	sshll.u32 s0, $0xA;
	s2 =	sadd.s32 s3, s2  }
0x8d: {  	s2 =	sadd.s32 s2, s16  }
0x8e: {  	[smem:$0x3FC0] =	sst s2  }
0x8f: {  	_ = 	snop  }
0x90: {  	(tm) =	ssettm $0x1  }
0x91: {  	s17 =	sld [smem:$0x3FFB];
	_ =	sdelay $0x3  }
0x92: {  	_ =	strace s17  }
0x93: {  	s2 =	sld [smem:$0x3FFC];
	_ =	sdelay $0x3  }
0x94: {  	_ =	strace s2  }
0x95: {  	s2 =	sld [smem:$0x3FFD];
	_ =	sdelay $0x3  }
0x96: {  	_ =	strace s2  }
0x97: {  	_ =	strace $0x8FFFFFFF  }
0x98: {  	s18 =	sld [smem:$0x3FDB];
	_ =	sdelay $0x1  }
0x99: {  	s19 =	simm.s32 $_scs_section_size  }
0x9a: {  	s4 =	simm.s32 $_size__tile_overlayer_lowered;
	s5 =	simm.s32 $_tile_overlayer_lowered  }
0x9b: {  	s22 =	simm.s32 $0x1BFF;
	s21 =	sshll.u32 s5, $0x1;
	s2 =	sadd.s32 s19, s18  }
0x9c: {  	s6 =	simm.s32 $0x0;
	s20 =	sshll.u32 s4, $0x1;
	s4 =	sadd.s32 s21, s2  }
0x9d: {  	[timem:s6], [sflag:s22] =	dma.local [hbm:s4], s20  }
0x9e: {  	_ =	swait.ge [sflag:s22], s20  }
0x9f: {  	s3 =	ssub.s32 $0x0, s20;
	[sflag:s22] =	ssyncset.done $0x0  }
0xa0: {  	[sflag:s22] =	ssyncadd.s32 s3;
	_ =	sdelay $0x1  }
0xa1: {  	s23 =	simm.s32 $0x1B8B  }
0xa2: {  	_ =	swait.ge [sflag:s23], $0x1  }
0xa3: {  	[sflag:s23] =	ssyncset.done $0x0  }
0xa4: {  	s25 =	simm.s32 $0x1B8E;
	s24 =	sld [smem:$0x3FFE];
	[sflag:s23] =	ssyncadd.s32 $0xFFFFFFFF  }
0xa5: {  	s26 =	simm.s32 $execute0_lowered;
	[smem:$0x3FD2] =	sst s25  }
0xa6: {  	s4 =	sshll.u32 s26, $0x1;
	_ =	strace $0x80000046;
	[dreg:$0x1] =	wrdreg $0xFFFFFFFF  }
0xa7: {  	s28 =	simm.s32 $_size_execute0_lowered;
	s2 =	sadd.s32 s2, s4;
	[dreg:$0x0] =	wrdreg $0x0  }
0xa8: {  	s4 =	sshll.u32 s28, $0x1;
	[dreg:$0x2] =	wrdreg s2  }
0xa9: {  	[dreg:$0x3] =	wrdreg s4  }
0xaa: {  	[dreg:$0x4] =	wrdreg $0xC0  }
0xab: {  	_ =	task [dreg:s6], $0x5FFFF  }
0xac: {  	[dreg:$0x1] =	wrdreg $0xFFFFFFFF  }
0xad: {  	[dreg:$0x0] =	wrdreg $0x60  }
0xae: {  	[dreg:$0x2] =	wrdreg s24  }
0xaf: {  	[dreg:$0x3] =	wrdreg $0x68000  }
0xb0: {  	[dreg:$0x4] =	wrdreg $0x9  }
0xb1: {  	_ =	task.clear_ibuf [dreg:s6], $0x5FFFF;
	_ =	strace $0x90000046  }
0xb2: {  	s29 =	simm.s32 $0x9;
	_ =	strace $0x80000048  }
0xb3: {  	_ =	swait.ge [sflag:s29], $0x1  }
0xb4: {  	[sflag:s29] =	ssyncadd.s32 $0xFFFFFFFF  }
0xb5: {  	_ =	strace $0x90000048  }
0xb6: {  	_ =	sfence  }
0xb7: {  	s30 =	sld [smem:$0x0];
	_ =	sdelay $0x2  }
0xb8: {  	s31 =	sshll.u32 s1, $0xD;
	s1 =	sshrl.u32 s1, $0x2  }
0xb9: {  	s3 =	sand.u32 $0x4000, s31;
	s1 =	sadd.s32 s1, s30  }
0xba: {  	s0 =	sor.u32 s3, s0;
	s1 =	sshll.u32 s1, $0x11  }
0xbb: {  	s0 =	sor.u32 s1, s0  }
0xbc: {  	s0 =	sadd.s32 $0x8F2B, s0  }
0xbd: {  	[sflag:s0] =	ssyncadd.remote.s32 $0x1  }
0xbe: {  	_ =	sfence.sel $0xFFFF  }
0xbf: {  	[dreg:$0x0] =	wrdreg $0xFFFFFFFF;
	(pc) =	sbr.abs _section_cstart, $3  }
0xc0: {  	[dreg:$0x1] =	wrdreg $0xFFFFFFFF  }
0xc1: {  	_ =	task.clear_ibuf [dreg:s6], $0x2FFFF;
	_ =	strace $0x9FFFFFFF  }
0xc2: {  	(tm) =	ssettm $0x7FFFFFFF  }
0xc3: {  	_ =	shalt  }
tec
execute0_lowered:
.L_overlay_start_1:
0x0: {  	(tag) =	ssettag $0x1  }
0x1: {  	s1 =	srdreg.scid;
	s5 =	rddreg [dreg:$0x0]  }
0x2: {  	s0 =	stileid.u32;
	s2 =	rddreg [dreg:$0x1]  }
0x3: {  	s3 =	simm.s32 $0x0;
	s12 =	simm.s32 $0x2800;
	s13 =	simm.s32 $0x0  }
0x4: {  	s4 =	sand.u32 $0x1, s1;
	s28 =	sshll.u32 s0, $0x1;
	s7 =	smul.u32 $0x13C00, s0  }
0x5: {  	[smem:$0x7FF] =	sst s3;
	s29 =	smul.u32 $0x4F000, s0;
	s31 =	sshll.u32 s0, $0x6  }
0x6: {  	s1 =	sor.u32 s4, s28;
	s8 =	smul.u32 $0x13C000, s4;
	s4 =	ssub.s32 $0x2, s4  }
0x7: {  	s6 =	smul.u32 $0x500, s1;
	s1 =	rddreg [dreg:$0x2];
	_ =	strace $0x80000047  }
0x8: {  	s9 =	sshrl.u32 s7, $0x3;
	s10 =	sshrl.u32 s4, $0x1;
	s30 =	sshrl.u32 s29, $0x2  }
0x9: {  	s7 =	sadd.s32 s7, s8;
	s9 =	sadd.s32 s9, s5;
	s10 =	ssub.s32 s4, s10  }
0xa: {  	s11 =	sadd.s32 s30, s2;
	s6 =	sadd.s32 s6, s5;
	s7 =	sshrl.u32 s7, $0x3  }
0xb: {  	s4 =	sadd.s32 $0xCC00, s9;
	s8 =	smax.u32 s10, $0x1;
	s9 =	sshrl.u32 s11, $0x3  }
0xc: {  	s10 =	simm.s32 $0x1;
	s11 =	simm.s32 $0x80;
	s7 =	sadd.s32 s7, s5  }
0xd: {  	v0 =	vimm.f32 $1.000000000e+00;
	s5 =	sor.u32 $0x1C01, s31;
	s6 =	sadd.s32 $0x2C00, s6;
	s7 =	sadd.s32 $0x34400, s7  }
.LBB2_1:
0xe: {  	[spmem:s9], [sflag:s5] =	dma.local [hbm:s4], $0x2780  }
0xf: {  	_ =	swait.ge [sflag:s10], $0x2780  }
0x10: {  	[sflag:s10] =	ssyncset.done $0x0  }
0x11: {  	[sflag:s10] =	ssyncadd.s32 $0xFFFFD880  }
0x12: {  	[tilespmem:s3], [sflag:$0x1] =	stream.linear.gather [hbm4b:s6+s3], $0x2800, $0x38;
	[tilespmem:$0x8F80] =	vst v63  }
0x13: {  	_ =	swait.ge [sflag:s10], $0x2800  }
0x14: {  	[sflag:s10] =	ssyncset.done $0x0  }
0x15: {  	s14 =	simm.s32 $0x200;
	s15 =	simm.s32 $0x0;
	[sflag:s10] =	ssyncadd.s32 $0xFFFFD800  }
.LBB2_2:
0x16: {  	p0 =	sne.s32 s14, $0xFE00;
	[tilespmem:s15+$0x2800] =	vst v0;
	s15 =	smov.u32 s14;
	s14 =	sadd.s32 $0x200, s14  }
.Ltmp0:
0x17: {  	(pc) =	sbr.rel @p0 .LBB2_2-.Ltmp0, $2  }
0x18: {  	_ =	sdelay $0x2  }
0x19: {  	s15 =	sshra.s32 s15, $0x2  }
0x1a: {  	[tilespmem:s15+$0x2800] =	vst v0  }
0x1b: {  	s14 =	simm.s32 $0x0;
	[bflag:$0x0] =	sbarrier.arrive $0xFFFF  }
0x1c: {  	[spmem:s2] =	stream.indirect.scatter.add.f32 [tilespmem:s12], [sflag:$0x1], $0x10, s14, s11, $0xb8;
	[tilespmem:$0x8F80] =	vst v63  }
0x1d: {  	_ =	swait.ge [sflag:s10], $0x800  }
0x1e: {  	s14 =	simm.s32 $0x200;
	[sflag:s10] =	ssyncset.done $0x0  }
.LBB2_4:
0x1f: {  	s15 =	sshra.s32 s14, $0x2;
	[sflag:s10] =	ssyncadd.s32 $0xFFFFF800;
	p0 =	sne.s32 s14, $0x9E00  }
0x20: {  	[spmem:s2] =	stream.indirect.scatter.add.f32 [tilespmem:s12], [sflag:$0x1], $0x10, s15, s11, $0xb8;
	[tilespmem:$0x8F80] =	vst v63  }
.Ltmp1:
0x21: {  	_ = 	snop;
	(pc) =	sbr.rel @p0 .LBB2_4-.Ltmp1, $4  }
0x22: {  	_ = 	snop  }
0x23: {  	s14 =	sadd.s32 $0x200, s14  }
0x24: {  	_ =	swait.ge [sflag:s10], $0x800  }
0x25: {  	[sflag:s10] =	ssyncset.done $0x0  }
0x26: {  	s13 =	sadd.s32 $0x1, s13  }
0x27: {  	[sflag:s10] =	ssyncadd.s32 $0xFFFFF800;
	p0 =	sne.s32 s13, s8  }
.Ltmp2:
0x28: {  	[bflag:$0x0] =	sbarrier.arrive $0xFFFF;
	(pc) =	sbr.rel @p0 .LBB2_1-.Ltmp2, $4  }
0x29: {  	[hbm:s7], [sflag:s5] =	dma.local [spmem:s9], $0x2780  }
0x2a: {  	_ =	swait.ge [sflag:s10], $0x2780  }
0x2b: {  	[sflag:s10] =	ssyncset.done $0x0  }
0x2c: {  	[sflag:s10] =	ssyncadd.s32 $0xFFFFD880  }
0x2d: {  	_ =	sfence.sel $0x180000  }
0x2e: {  	[bflag:$0x0] =	sbarrier.arrive $0xFFFF  }
0x2f: {  	p0 =	sne.s32 s0, $0x0;
	_ =	strace $0x90000047  }
0x30: {  	s0 =	sadd.s32 @!p0 $0x100000, s1;
	[bflag:$0x2] =	sbarrier.arrive $0xFFFF  }
0x31: {  	[sflag:s0] =	ssyncadd.tile.s32 @!p0 $0x1;
	_ =	shalt  }
.Lfunc_end2:
_tile_overlayer_lowered:
.L_overlay_start_2:
0x32: {  	(tag) =	ssettag $0x2  }
0x33: {  	s0 =	rddreg [dreg:$0x0];
	s2 =	stileid.u32  }
0x34: {  	s1 =	rddreg [dreg:$0x1];
	p0 =	sne.s32 s2, $0x0  }
0x35: {  	s3 =	rddreg [dreg:$0x2];
	[bflag:$0x3] =	sbarrier.arrive $0xFFFF;
	s2 =	simm.s32 @!p0 $0x1C01  }
0x36: {  	[timem:s3], [sflag:s2] =	dma.local @!p0 [hbm:s0], s1  }
0x37: {  	s0 =	simm.s32 @!p0 $0x1  }
0x38: {  	_ =	swait.ge @!p0 [sflag:s0], s1  }
0x39: {  	s1 =	ssub.s32 @!p0 $0x0, s1;
	[sflag:s0] =	ssyncset.done @!p0 $0x0  }
0x3a: {  	[sflag:s0] =	ssyncadd.s32 @!p0 s1  }
0x3b: {  	[bflag:$0x3] =	sbarrier.arrive $0xFFFF  }
0x3c: {  	_ =	shalt  }

// kernel: kernel.13.cloned.1.call-start
scs
__scs_entry_jumppad:
0x0: {  	(pc) =	sbr.rel $0x88, $3  }
0x1: {  	(tag) =	ssettag $0x0;
	lr =	simm.s32 $0x1  }
0x2: {  	[smem:$0x3F99] =	sst lr;
	_ =	strace $0xD0000000  }
0x3: {  	_ = 	snop  }
0x4: {  	_ = 	snop  }
0x5: {  	_ = 	snop  }
0x6: {  	_ = 	snop  }
0x7: {  	_ = 	snop  }
__scs_overlays_trampoline_lowered:
0x8: {  	[smem:$0x3FA8] =	sst s0  }
0x9: {  	[smem:$0x3FA9] =	sst s1  }
0xa: {  	[smem:$0x3FAA] =	sst s2  }
0xb: {  	[smem:$0x3FAB] =	sst s3  }
0xc: {  	[smem:$0x3FAC] =	sst s4  }
0xd: {  	[smem:$0x3FAD] =	sst s5  }
0xe: {  	[smem:$0x3FAE] =	sst s6  }
0xf: {  	[smem:$0x3FAF] =	sst s7  }
0x10: {  	[smem:$0x3FB0] =	sst s8  }
0x11: {  	[smem:$0x3FB1] =	sst s9;
	s0 =	simm.s32 @!p0 $0x0  }
0x12: {  	s1 =	sld [smem:$0x3F97];
	s0 =	simm.s32 @p0 $0x1  }
0x13: {  	[smem:$0x3FB2] =	sst s0;
	s0 =	simm.s32 @!p1 $0x0  }
0x14: {  	s2 =	sld [smem:$0x3F96];
	s0 =	simm.s32 @p1 $0x1  }
0x15: {  	[smem:$0x3FB3] =	sst s0;
	s0 =	simm.s32 @!p2 $0x0  }
0x16: {  	s3 =	sld [smem:$0x3FDB];
	s0 =	simm.s32 @p2 $0x1  }
0x17: {  	s4 =	simm.s32 $0x1BF5;
	[smem:$0x3FB5] =	sst s0  }
0x18: {  	s0 =	sld [smem:$0x3F98];
	_ =	swait.ge [sflag:s4], $0x0  }
0x19: {  	s7 =	sld [smem:$0x3F99]  }
0x1a: {  	s8 =	sadd.s32 $0xFFFFE003, lr  }
0x1b: {  	s9 =	sadd.s32 $0xFFFFFEF7, lr;
	s5 =	simm.s32 $0xFFFFFFFF;
	p2 =	slt.u32 s8, $0xFFFFF086  }
0x1c: {  	p1 =	slt.u32 s9, $0xF7A;
	s5 =	simm.s32 @!p2 $0x0  }
0x1d: {  	s5 =	simm.s32 @p1 $0x1;
	p0 =	seq.s32 s7, s2  }
0x1e: {  	s7 =	smul.u32 @!p0 $0xF7A, s2;
	p2 =	seq.s32 @!p0 s5, $0x0  }
0x1f: {  	s9 =	smul.u32 $0xF7A, s1;
	s8 =	simm.s32 @!p0 $0x1BF5;
	p2 =	por !p2, p0  }
0x20: {  	[sflag:s8] =	ssyncset.s32 @!p0 $0xFFFFF086;
	s6 =	sadd.s32 @!p0 s3, s7;
	s7 =	simm.s32 @!p0 $0x108  }
0x21: {  	s3 =	sadd.s32 s3, s9;
	s6 =	sadd.s32 @!p0 $0x88, s6;
	s7 =	simm.s32 @p2 $0x1082  }
0x22: {  	[simem:s7], [sflag:s8] =	dma.local @!p0 [hbm:s6], $0xF7A  }
0x23: {  	s9 =	sor.u32 $0xD0000000, s2;
	s6 =	simm.s32 $0x108;
	_ =	swait.ge @!p0 [sflag:s8], $0x0  }
0x24: {  	s3 =	sadd.s32 $0x88, s3;
	s6 =	simm.s32 @!p1 $0x1082;
	[sflag:s4] =	ssyncset.s32 $0xFFFFF086  }
0x25: {  	[simem:s6], [sflag:s4] =	dma.local [hbm:s3], $0xF7A  }
0x26: {  	[smem:$0x3F99] =	sst s1;
	(tag) =	ssettag s2;
	_ =	strace s9  }
0x27: {  	s1 =	sld [smem:$0x3FA9]  }
0x28: {  	s2 =	sld [smem:$0x3FAA]  }
0x29: {  	s4 =	sld [smem:$0x3FAC]  }
0x2a: {  	p0 =	seq.s32 s5, $0x0;
	s5 =	sld [smem:$0x3FAD]  }
0x2b: {  	s6 =	sld [smem:$0x3FAE]  }
0x2c: {  	s7 =	sld [smem:$0x3FAF]  }
0x2d: {  	s3 =	simm.s32 $0x108;
	s8 =	sld [smem:$0x3FB0]  }
0x2e: {  	s3 =	simm.s32 @!p0 $0x1082;
	s9 =	sld [smem:$0x3FB1]  }
0x2f: {  	lr =	sadd.s32 s0, s3;
	s0 =	sld [smem:$0x3FA8]  }
0x30: {  	s3 =	sld [smem:$0x3FAB]  }
0x31: {  	[smem:$0x3FB4] =	sst s10  }
0x32: {  	s10 =	sld [smem:$0x3FB2];
	_ =	sdelay $0x3  }
0x33: {  	p0 =	seq.s32 s10, $0x1;
	s10 =	sld [smem:$0x3FB4];
	_ =	sdelay $0x3  }
0x34: {  	[smem:$0x3FB4] =	sst s10  }
0x35: {  	s10 =	sld [smem:$0x3FB3];
	_ =	sdelay $0x3  }
0x36: {  	p1 =	seq.s32 s10, $0x1;
	s10 =	sld [smem:$0x3FB4];
	_ =	sdelay $0x3  }
0x37: {  	[smem:$0x3FB4] =	sst s10  }
0x38: {  	s10 =	sld [smem:$0x3FB5]  }
0x39: {  	_ = 	snop;
	(pc) =	sbr.ind lr, $3  }
0x3a: {  	_ = 	snop  }
0x3b: {  	_ = 	snop  }
0x3c: {  	p2 =	seq.s32 s10, $0x1;
	s10 =	sld [smem:$0x3FB4]  }
0x3d: {  	_ =	shalt  }
0x3e: {  	_ =	shalt  }
0x3f: {  	_ =	shalt  }
0x40: {  	_ =	shalt  }
0x41: {  	_ =	shalt  }
0x42: {  	_ =	shalt  }
0x43: {  	_ =	shalt  }
0x44: {  	_ =	shalt  }
0x45: {  	_ =	shalt  }
0x46: {  	_ =	shalt  }
0x47: {  	_ =	shalt  }
0x48: {  	_ =	shalt  }
0x49: {  	_ =	shalt  }
0x4a: {  	_ =	shalt  }
0x4b: {  	_ =	shalt  }
0x4c: {  	_ =	shalt  }
0x4d: {  	_ =	shalt  }
0x4e: {  	_ =	shalt  }
0x4f: {  	_ =	shalt  }
0x50: {  	_ =	shalt  }
0x51: {  	_ =	shalt  }
0x52: {  	_ =	shalt  }
0x53: {  	_ =	shalt  }
0x54: {  	_ =	shalt  }
0x55: {  	_ =	shalt  }
0x56: {  	_ =	shalt  }
0x57: {  	_ =	shalt  }
0x58: {  	_ =	shalt  }
0x59: {  	_ =	shalt  }
0x5a: {  	_ =	shalt  }
0x5b: {  	_ =	shalt  }
0x5c: {  	_ =	shalt  }
0x5d: {  	_ =	shalt  }
0x5e: {  	_ =	shalt  }
0x5f: {  	_ =	shalt  }
0x60: {  	_ =	shalt  }
0x61: {  	_ =	shalt  }
0x62: {  	_ =	shalt  }
0x63: {  	_ =	shalt  }
0x64: {  	_ =	shalt  }
0x65: {  	_ =	shalt  }
0x66: {  	_ =	shalt  }
0x67: {  	_ =	shalt  }
0x68: {  	_ =	shalt  }
0x69: {  	_ =	shalt  }
0x6a: {  	_ =	shalt  }
0x6b: {  	_ =	shalt  }
0x6c: {  	_ =	shalt  }
0x6d: {  	_ =	shalt  }
0x6e: {  	_ =	shalt  }
0x6f: {  	_ =	shalt  }
0x70: {  	_ =	shalt  }
0x71: {  	_ =	shalt  }
0x72: {  	_ =	shalt  }
0x73: {  	_ =	shalt  }
0x74: {  	_ =	shalt  }
0x75: {  	_ =	shalt  }
0x76: {  	_ =	shalt  }
0x77: {  	_ =	shalt  }
0x78: {  	_ =	shalt  }
0x79: {  	_ =	shalt  }
0x7a: {  	_ =	shalt  }
0x7b: {  	_ =	shalt  }
0x7c: {  	_ =	shalt  }
0x7d: {  	_ =	shalt  }
0x7e: {  	_ =	shalt  }
0x7f: {  	_ =	shalt  }
0x80: {  	_ =	shalt  }
0x81: {  	_ =	shalt  }
0x82: {  	_ =	shalt  }
0x83: {  	_ =	shalt  }
0x84: {  	_ =	shalt  }
0x85: {  	_ =	shalt  }
0x86: {  	_ =	shalt  }
0x87: {  	_ =	shalt  }
.Lfunc_end0:
.L_simem_size_0:
called_computation.1_lowered:
.L_overlay_start_0:
0x88: {  	s2 =	sld [smem:$0x3FD9]  }
0x89: {  	s3 =	sld [smem:$0x3FFE];
	_ =	sdelay $0x1  }
0x8a: {  	s1 =	srdreg.scid  }
0x8b: {  	s0 =	sand.u32 $0x1, s1  }
0x8c: {  	s17 =	sshll.u32 s0, $0xA;
	s2 =	sadd.s32 s3, s2  }
0x8d: {  	s2 =	sadd.s32 s2, s17  }
0x8e: {  	[smem:$0x3FC0] =	sst s2  }
0x8f: {  	_ = 	snop  }
0x90: {  	s2 =	sld [smem:$0x3FD0];
	(tm) =	ssettm $0x1  }
0x91: {  	s18 =	sld [smem:$0x3FFB];
	_ =	sdelay $0x3  }
0x92: {  	_ =	strace s18  }
0x93: {  	s3 =	sld [smem:$0x3FFC];
	_ =	sdelay $0x3  }
0x94: {  	_ =	strace s3  }
0x95: {  	s3 =	sld [smem:$0x3FFD];
	_ =	sdelay $0x3  }
0x96: {  	_ =	strace s3  }
0x97: {  	_ =	strace $0x8FFFFFFF  }
0x98: {  	s19 =	sld [smem:$0x3FDB];
	_ =	sdelay $0x1  }
0x99: {  	s4 =	simm.s32 $_scs_section_size  }
0x9a: {  	s5 =	simm.s32 $_size__tile_overlayer_lowered;
	s6 =	simm.s32 $_tile_overlayer_lowered  }
0x9b: {  	s22 =	simm.s32 $0x1BFF;
	s21 =	sshll.u32 s6, $0x1;
	s3 =	sadd.s32 s4, s19  }
0x9c: {  	s7 =	simm.s32 $0x0;
	s20 =	sshll.u32 s5, $0x1;
	s5 =	sadd.s32 s21, s3  }
0x9d: {  	[timem:s7], [sflag:s22] =	dma.local [hbm:s5], s20  }
0x9e: {  	_ =	swait.ge [sflag:s22], s20  }
0x9f: {  	s4 =	ssub.s32 $0x0, s20;
	[sflag:s22] =	ssyncset.done $0x0  }
0xa0: {  	[sflag:s22] =	ssyncadd.s32 s4;
	_ =	sdelay $0x1  }
0xa1: {  	s23 =	simm.s32 $0x1B8B  }
0xa2: {  	_ =	swait.ge [sflag:s23], $0x1  }
0xa3: {  	[sflag:s23] =	ssyncset.done $0x0  }
0xa4: {  	s25 =	simm.s32 $0x1B8E;
	s24 =	sld [smem:$0x3FFE];
	[sflag:s23] =	ssyncadd.s32 $0xFFFFFFFF  }
0xa5: {  	s26 =	simm.s32 $execute0_lowered;
	[smem:$0x3FD2] =	sst s25  }
0xa6: {  	s5 =	sshll.u32 s26, $0x1;
	_ =	strace $0x80000049;
	[dreg:$0x1] =	wrdreg $0xFFFFFFFF  }
0xa7: {  	s28 =	simm.s32 $_size_execute0_lowered;
	s3 =	sadd.s32 s3, s5;
	[dreg:$0x0] =	wrdreg $0x0  }
0xa8: {  	s5 =	sshll.u32 s28, $0x1;
	[dreg:$0x2] =	wrdreg s3  }
0xa9: {  	[dreg:$0x3] =	wrdreg s5  }
0xaa: {  	[dreg:$0x4] =	wrdreg $0xC0  }
0xab: {  	_ =	task [dreg:s7], $0x5FFFF  }
0xac: {  	[dreg:$0x1] =	wrdreg $0xFFFFFFFF  }
0xad: {  	[dreg:$0x0] =	wrdreg $0x60  }
0xae: {  	[dreg:$0x2] =	wrdreg s24  }
0xaf: {  	[dreg:$0x3] =	wrdreg s2  }
0xb0: {  	[dreg:$0x4] =	wrdreg $0xA8000  }
0xb1: {  	[dreg:$0x5] =	wrdreg $0x9  }
0xb2: {  	_ =	task.clear_ibuf [dreg:s7], $0x6FFFF;
	_ =	strace $0x90000049  }
0xb3: {  	s29 =	simm.s32 $0x9;
	_ =	strace $0x8000004B  }
0xb4: {  	_ =	swait.ge [sflag:s29], $0x1  }
0xb5: {  	[sflag:s29] =	ssyncadd.s32 $0xFFFFFFFF  }
0xb6: {  	_ =	strace $0x9000004B  }
0xb7: {  	_ =	sfence  }
0xb8: {  	s30 =	sld [smem:$0x0];
	_ =	sdelay $0x2  }
0xb9: {  	s31 =	sshll.u32 s1, $0xD;
	s1 =	sshrl.u32 s1, $0x2  }
0xba: {  	s3 =	sand.u32 $0x4000, s31;
	s1 =	sadd.s32 s1, s30  }
0xbb: {  	s0 =	sor.u32 s3, s0;
	s1 =	sshll.u32 s1, $0x11  }
0xbc: {  	s0 =	sor.u32 s1, s0  }
0xbd: {  	s0 =	sadd.s32 $0x8F2B, s0  }
0xbe: {  	[sflag:s0] =	ssyncadd.remote.s32 $0x1  }
0xbf: {  	_ =	sfence.sel $0xFFFF  }
0xc0: {  	[dreg:$0x0] =	wrdreg $0xFFFFFFFF;
	(pc) =	sbr.abs _section_cstart, $3  }
0xc1: {  	[dreg:$0x1] =	wrdreg $0xFFFFFFFF  }
0xc2: {  	_ =	task.clear_ibuf [dreg:s7], $0x2FFFF;
	_ =	strace $0x9FFFFFFF  }
0xc3: {  	(tm) =	ssettm $0x7FFFFFFF  }
tec
execute0_lowered:
.L_overlay_start_1:
0x0: {  	(tag) =	ssettag $0x1  }
0x1: {  	s5 =	rddreg [dreg:$0x0]  }
0x2: {  	s9 =	rddreg [dreg:$0x1]  }
0x3: {  	s2 =	rddreg [dreg:$0x2]  }
0x4: {  	s0 =	rddreg [dreg:$0x3]  }
0x5: {  	s1 =	stileid.u32;
	s4 =	srdreg.scid;
	s3 =	simm.s32 $0x0  }
0x6: {  	s16 =	simm.s32 $0x80;
	s17 =	simm.s32 $0x6800;
	s6 =	smul.u32 $0x13C00, s1  }
0x7: {  	s18 =	simm.s32 $0x1;
	s7 =	sand.u32 $0x1, s4;
	s11 =	smul.u32 $0x4F000, s1  }
0x8: {  	[smem:$0x7FF] =	sst s3;
	s4 =	sadd.s32 $0xCC00, s5;
	s13 =	smul.u32 $0x3400, s1  }
0x9: {  	s10 =	sadd.s32 $0x2C00, s5;
	s29 =	sshll.u32 s1, $0x6;
	s30 =	smul.u32 $0x380, s1  }
0xa: {  	s8 =	smul.u32 $0x13C000, s7;
	_ =	strace $0x8000004A;
	s26 =	ssub.s32 $0x2, s7  }
0xb: {  	p0 =	seq.s32 s7, $0x1;
	s28 =	sshrl.u32 s26, $0x1;
	s11 =	sshrl.u32 s11, $0x2  }
0xc: {  	s31 =	sshrl.u32 s13, $0x3;
	s7 =	sadd.s32 s9, s30;
	s8 =	sadd.s32 s6, s8  }
0xd: {  	s6 =	sshrl.u32 s6, $0x3;
	s14 =	ssub.s32 s26, s28;
	s15 =	sadd.s32 s11, s2  }
.Ltmp0:
0xe: {  	s11 =	sadd.s32 $0x3800, s31;
	s8 =	sshrl.u32 s8, $0x3;
	(pc) =	sbr.rel .LBB2_1-.Ltmp0, $4  }
0xf: {  	s6 =	sadd.s32 s6, s5;
	s9 =	sadd.s32 s9, s11;
	s13 =	sshrl.u32 s15, $0x3  }
0x10: {  	s15 =	simm.s32 $0x3400;
	s12 =	sadd.s32 s8, s5;
	s5 =	sadd.s32 $0x33E00, s6  }
0x11: {  	s6 =	sor.u32 $0x1C02, s29;
	s8 =	sadd.s32 s10, s30;
	s10 =	sadd.s32 s10, s11  }
0x12: {  	s11 =	sadd.s32 $0x5B600, s12;
	s12 =	smax.u32 s14, $0x1;
	s14 =	simm.s32 $0x2  }
.LBB2_7:
0x13: {  	s19 =	sshra.s32 s19, $0x2;
	[sflag:s14] =	ssyncadd.s32 $0xFFFFC000  }
0x14: {  	[tilespmem:s17], [sflag:$0x1] =	stream.indirect.gather [hbm4b:s4+s16], $0x80, s19, s16, $0xb8;
	[tilespmem:$0x1E400] =	vst v63  }
0x15: {  	_ =	swait.ge [sflag:s18], $0x4000  }
0x16: {  	[sflag:s18] =	ssyncset.done $0x0  }
0x17: {  	s19 =	sadd.s32 $0x3400, s19;
	[sflag:s18] =	ssyncadd.s32 $0xFFFFC000  }
0x18: {  	[spmem:s2] =	stream.indirect.scatter.add.f32 [tilespmem:s17], [sflag:$0x2], $0x80, s19, s16, $0xb8;
	[tilespmem:$0x1E400] =	vst v63  }
0x19: {  	_ =	swait.ge [sflag:s14], $0x4000  }
0x1a: {  	[sflag:s14] =	ssyncset.done $0x0  }
0x1b: {  	[sflag:s14] =	ssyncadd.s32 $0xFFFFC000  }
.LBB2_8:
0x1c: {  	s3 =	sadd.s32 $0x1, s3  }
0x1d: {  	p1 =	sne.s32 s3, s12  }
.Ltmp1:
0x1e: {  	[bflag:$0x0] =	sbarrier.arrive $0xFFFF;
	(pc) =	sbr.rel @!p1 .LBB2_9-.Ltmp1, $4  }
0x1f: {  	[hbm:s11], [sflag:s6] =	dma.local [spmem:s13], $0x2780  }
0x20: {  	_ =	swait.ge [sflag:s14], $0x2780  }
0x21: {  	[sflag:s14] =	ssyncset.done $0x0  }
0x22: {  	[sflag:s14] =	ssyncadd.s32 $0xFFFFD880  }
.LBB2_1:
.Ltmp2:
0x23: {  	(pc) =	sbr.rel @!p0 .LBB2_2-.Ltmp2, $4  }
0x24: {  	[spmem:s13], [sflag:s6] =	dma.local [hbm:s5], $0x2780  }
0x25: {  	_ =	swait.ge [sflag:s14], $0x2780  }
0x26: {  	[sflag:s14] =	ssyncset.done $0x0  }
0x27: {  	s19 =	simm.s32 $0x0;
	[sflag:s14] =	ssyncadd.s32 $0xFFFFD880  }
0x28: {  	[tilespmem:s19], [sflag:$0x2] =	stream.linear.gather [hbm4b:s9+s19], $0x3400, $0x38;
	[tilespmem:$0x1E400] =	vst v63  }
0x29: {  	_ =	swait.ge [sflag:s14], $0x3400  }
0x2a: {  	[sflag:s14] =	ssyncset.done $0x0  }
0x2b: {  	[sflag:s14] =	ssyncadd.s32 $0xFFFFCC00  }
0x2c: {  	[tilespmem:s15], [sflag:$0x2] =	stream.linear.gather [hbm4b:s10+s19], $0x3400, $0x38;
	[tilespmem:$0x1E400] =	vst v63  }
0x2d: {  	_ =	swait.ge [sflag:s14], $0x3400  }
0x2e: {  	[sflag:s14] =	ssyncset.done $0x0  }
0x2f: {  	[sflag:s14] =	ssyncadd.s32 $0xFFFFCC00  }
0x30: {  	s30 =	simm.s32 $0x0;
	[bflag:$0x0] =	sbarrier.arrive $0xFFFF  }
0x31: {  	[tilespmem:s17], [sflag:$0x1] =	stream.indirect.gather [hbm4b:s4+s16], $0x80, s30, s16, $0xb8;
	[tilespmem:$0x1E400] =	vst v63  }
0x32: {  	_ =	swait.ge [sflag:s18], $0x4000  }
0x33: {  	[sflag:s18] =	ssyncset.done $0x0  }
0x34: {  	s31 =	simm.s32 $0x3400;
	[sflag:s18] =	ssyncadd.s32 $0xFFFFC000  }
0x35: {  	[spmem:s2] =	stream.indirect.scatter.add.f32 [tilespmem:s17], [sflag:$0x2], $0x80, s31, s16, $0xb8;
	[tilespmem:$0x1E400] =	vst v63  }
0x36: {  	_ =	swait.ge [sflag:s14], $0x4000  }
0x37: {  	s20 =	simm.s32 $0x400;
	s19 =	simm.s32 $0x200;
	[sflag:s14] =	ssyncset.done $0x0  }
.LBB2_6:
0x38: {  	s21 =	sshra.s32 s19, $0x2  }
0x39: {  	[sflag:s14] =	ssyncadd.s32 $0xFFFFC000;
	s19 =	smov.u32 s20;
	s22 =	sadd.s32 $0x200, s20  }
0x3a: {  	[tilespmem:s17], [sflag:$0x1] =	stream.indirect.gather [hbm4b:s4+s16], $0x80, s21, s16, $0xb8;
	[tilespmem:$0x1E400] =	vst v63  }
0x3b: {  	p1 =	sne.s32 s20, $0xCE00;
	_ =	swait.ge [sflag:s18], $0x4000  }
.Ltmp3:
0x3c: {  	[sflag:s18] =	ssyncset.done $0x0;
	(pc) =	sbr.rel @p1 .LBB2_6-.Ltmp3, $4  }
0x3d: {  	s20 =	sadd.s32 $0x3400, s21;
	[sflag:s18] =	ssyncadd.s32 $0xFFFFC000  }
0x3e: {  	[spmem:s2] =	stream.indirect.scatter.add.f32 [tilespmem:s17], [sflag:$0x2], $0x80, s20, s16, $0xb8;
	[tilespmem:$0x1E400] =	vst v63  }
0x3f: {  	_ =	swait.ge [sflag:s14], $0x4000  }
0x40: {  	s20 =	smov.u32 s22;
	[sflag:s14] =	ssyncset.done $0x0  }
.Ltmp4:
0x41: {  	_ = 	snop;
	(pc) =	sbr.rel .LBB2_7-.Ltmp4, $1  }
0x42: {  	_ =	sdelay $0x3  }
.LBB2_2:
0x43: {  	[tilespmem:s19], [sflag:$0x2] =	stream.linear.gather [hbm4b:s7+s19], $0x1C00, $0x38;
	[tilespmem:$0x1E400] =	vst v63  }
0x44: {  	_ =	swait.ge [sflag:s14], $0x1C00  }
0x45: {  	[sflag:s14] =	ssyncset.done $0x0  }
0x46: {  	[sflag:s14] =	ssyncadd.s32 $0xFFFFE400  }
0x47: {  	[tilespmem:s15], [sflag:$0x2] =	stream.linear.gather [hbm4b:s8+s19], $0x1C00, $0x38;
	[tilespmem:$0x1E400] =	vst v63  }
0x48: {  	_ =	swait.ge [sflag:s14], $0x1C00  }
0x49: {  	[sflag:s14] =	ssyncset.done $0x0  }
0x4a: {  	[sflag:s14] =	ssyncadd.s32 $0xFFFFE400  }
0x4b: {  	s30 =	simm.s32 $0x0;
	[bflag:$0x0] =	sbarrier.arrive $0xFFFF  }
0x4c: {  	[tilespmem:s17], [sflag:$0x1] =	stream.indirect.gather [hbm4b:s4+s16], $0x80, s30, s16, $0xb8;
	[tilespmem:$0x1E400] =	vst v63  }
0x4d: {  	_ =	swait.ge [sflag:s18], $0x4000  }
0x4e: {  	[sflag:s18] =	ssyncset.done $0x0  }
0x4f: {  	s31 =	simm.s32 $0x3400;
	[sflag:s18] =	ssyncadd.s32 $0xFFFFC000  }
0x50: {  	[spmem:s2] =	stream.indirect.scatter.add.f32 [tilespmem:s17], [sflag:$0x2], $0x80, s31, s16, $0xb8;
	[tilespmem:$0x1E400] =	vst v63  }
0x51: {  	_ =	swait.ge [sflag:s14], $0x4000  }
0x52: {  	s20 =	simm.s32 $0x400;
	s19 =	simm.s32 $0x200;
	[sflag:s14] =	ssyncset.done $0x0  }
.LBB2_3:
0x53: {  	s21 =	sshra.s32 s19, $0x2  }
0x54: {  	[sflag:s14] =	ssyncadd.s32 $0xFFFFC000;
	s19 =	smov.u32 s20;
	s22 =	sadd.s32 $0x200, s20  }
0x55: {  	[tilespmem:s17], [sflag:$0x1] =	stream.indirect.gather [hbm4b:s4+s16], $0x80, s21, s16, $0xb8;
	[tilespmem:$0x1E400] =	vst v63  }
0x56: {  	p1 =	seq.s32 s20, $0x6E00;
	_ =	swait.ge [sflag:s18], $0x4000  }
.Ltmp5:
0x57: {  	[sflag:s18] =	ssyncset.done $0x0;
	(pc) =	sbr.rel @!p1 .LBB2_3-.Ltmp5, $4  }
0x58: {  	s20 =	sadd.s32 $0x3400, s21;
	[sflag:s18] =	ssyncadd.s32 $0xFFFFC000  }
0x59: {  	[spmem:s2] =	stream.indirect.scatter.add.f32 [tilespmem:s17], [sflag:$0x2], $0x80, s20, s16, $0xb8;
	[tilespmem:$0x1E400] =	vst v63  }
0x5a: {  	_ =	swait.ge [sflag:s14], $0x4000  }
0x5b: {  	s20 =	smov.u32 s22;
	[sflag:s14] =	ssyncset.done $0x0  }
0x5c: {  	s19 =	sshra.s32 s19, $0x2;
	[sflag:s14] =	ssyncadd.s32 $0xFFFFC000  }
0x5d: {  	[tilespmem:s17], [sflag:$0x1] =	stream.indirect.gather [hbm4b:s4+s16], $0x80, s19, s16, $0xb8;
	[tilespmem:$0x1E400] =	vst v63  }
0x5e: {  	_ =	swait.ge [sflag:s18], $0x4000  }
0x5f: {  	[sflag:s18] =	ssyncset.done $0x0  }
.Ltmp6:
0x60: {  	s19 =	sadd.s32 $0x3400, s19;
	[sflag:s18] =	ssyncadd.s32 $0xFFFFC000;
	(pc) =	sbr.rel .LBB2_8-.Ltmp6, $4  }
0x61: {  	[spmem:s2] =	stream.indirect.scatter.add.f32 [tilespmem:s17], [sflag:$0x2], $0x80, s19, s16, $0xb8;
	[tilespmem:$0x1E400] =	vst v63  }
0x62: {  	_ =	swait.ge [sflag:s14], $0x4000  }
0x63: {  	[sflag:s14] =	ssyncset.done $0x0  }
0x64: {  	[sflag:s14] =	ssyncadd.s32 $0xFFFFC000  }
.LBB2_9:
0x65: {  	_ =	sfence.sel $0x180000  }
0x66: {  	[bflag:$0x0] =	sbarrier.arrive $0xFFFF  }
0x67: {  	p0 =	sne.s32 s1, $0x0;
	_ =	strace $0x9000004A  }
0x68: {  	s0 =	sadd.s32 @!p0 $0x100000, s0;
	[bflag:$0x2] =	sbarrier.arrive $0xFFFF  }
0x69: {  	[sflag:s0] =	ssyncadd.tile.s32 @!p0 $0x1;
	_ =	shalt  }
.Lfunc_end2:
_tile_overlayer_lowered:
.L_overlay_start_2:
0x6a: {  	(tag) =	ssettag $0x2  }
0x6b: {  	s0 =	rddreg [dreg:$0x0];
	s2 =	stileid.u32  }
0x6c: {  	s1 =	rddreg [dreg:$0x1];
	p0 =	sne.s32 s2, $0x0  }
0x6d: {  	s3 =	rddreg [dreg:$0x2];
	[bflag:$0x3] =	sbarrier.arrive $0xFFFF;
	s2 =	simm.s32 @!p0 $0x1C02  }
0x6e: {  	[timem:s3], [sflag:s2] =	dma.local @!p0 [hbm:s0], s1  }
0x6f: {  	s0 =	simm.s32 @!p0 $0x2  }
0x70: {  	_ =	swait.ge @!p0 [sflag:s0], s1  }
0x71: {  	s1 =	ssub.s32 @!p0 $0x0, s1;
	[sflag:s0] =	ssyncset.done @!p0 $0x0  }
0x72: {  	[sflag:s0] =	ssyncadd.s32 @!p0 s1  }
0x73: {  	[bflag:$0x3] =	sbarrier.arrive $0xFFFF  }
0x74: {  	_ =	shalt  }

// kernel: kernel.16.cloned.1.call-start
scs
__scs_entry_jumppad:
0x0: {  	(pc) =	sbr.rel $0x88, $3  }
0x1: {  	(tag) =	ssettag $0x0;
	lr =	simm.s32 $0x1  }
0x2: {  	[smem:$0x3F99] =	sst lr;
	_ =	strace $0xD0000000  }
0x3: {  	_ = 	snop  }
0x4: {  	_ = 	snop  }
0x5: {  	_ = 	snop  }
0x6: {  	_ = 	snop  }
0x7: {  	_ = 	snop  }
__scs_overlays_trampoline_lowered:
0x8: {  	[smem:$0x3FA8] =	sst s0  }
0x9: {  	[smem:$0x3FA9] =	sst s1  }
0xa: {  	[smem:$0x3FAA] =	sst s2  }
0xb: {  	[smem:$0x3FAB] =	sst s3  }
0xc: {  	[smem:$0x3FAC] =	sst s4  }
0xd: {  	[smem:$0x3FAD] =	sst s5  }
0xe: {  	[smem:$0x3FAE] =	sst s6  }
0xf: {  	[smem:$0x3FAF] =	sst s7  }
0x10: {  	[smem:$0x3FB0] =	sst s8  }
0x11: {  	[smem:$0x3FB1] =	sst s9;
	s0 =	simm.s32 @!p0 $0x0  }
0x12: {  	s1 =	sld [smem:$0x3F97];
	s0 =	simm.s32 @p0 $0x1  }
0x13: {  	[smem:$0x3FB2] =	sst s0;
	s0 =	simm.s32 @!p1 $0x0  }
0x14: {  	s2 =	sld [smem:$0x3F96];
	s0 =	simm.s32 @p1 $0x1  }
0x15: {  	[smem:$0x3FB3] =	sst s0;
	s0 =	simm.s32 @!p2 $0x0  }
0x16: {  	s3 =	sld [smem:$0x3FDB];
	s0 =	simm.s32 @p2 $0x1  }
0x17: {  	s4 =	simm.s32 $0x1BF5;
	[smem:$0x3FB5] =	sst s0  }
0x18: {  	s0 =	sld [smem:$0x3F98];
	_ =	swait.ge [sflag:s4], $0x0  }
0x19: {  	s7 =	sld [smem:$0x3F99]  }
0x1a: {  	s8 =	sadd.s32 $0xFFFFE003, lr  }
0x1b: {  	s9 =	sadd.s32 $0xFFFFFEF7, lr;
	s5 =	simm.s32 $0xFFFFFFFF;
	p2 =	slt.u32 s8, $0xFFFFF086  }
0x1c: {  	p1 =	slt.u32 s9, $0xF7A;
	s5 =	simm.s32 @!p2 $0x0  }
0x1d: {  	s5 =	simm.s32 @p1 $0x1;
	p0 =	seq.s32 s7, s2  }
0x1e: {  	s7 =	smul.u32 @!p0 $0xF7A, s2;
	p2 =	seq.s32 @!p0 s5, $0x0  }
0x1f: {  	s9 =	smul.u32 $0xF7A, s1;
	s8 =	simm.s32 @!p0 $0x1BF5;
	p2 =	por !p2, p0  }
0x20: {  	[sflag:s8] =	ssyncset.s32 @!p0 $0xFFFFF086;
	s6 =	sadd.s32 @!p0 s3, s7;
	s7 =	simm.s32 @!p0 $0x108  }
0x21: {  	s3 =	sadd.s32 s3, s9;
	s6 =	sadd.s32 @!p0 $0x88, s6;
	s7 =	simm.s32 @p2 $0x1082  }
0x22: {  	[simem:s7], [sflag:s8] =	dma.local @!p0 [hbm:s6], $0xF7A  }
0x23: {  	s9 =	sor.u32 $0xD0000000, s2;
	s6 =	simm.s32 $0x108;
	_ =	swait.ge @!p0 [sflag:s8], $0x0  }
0x24: {  	s3 =	sadd.s32 $0x88, s3;
	s6 =	simm.s32 @!p1 $0x1082;
	[sflag:s4] =	ssyncset.s32 $0xFFFFF086  }
0x25: {  	[simem:s6], [sflag:s4] =	dma.local [hbm:s3], $0xF7A  }
0x26: {  	[smem:$0x3F99] =	sst s1;
	(tag) =	ssettag s2;
	_ =	strace s9  }
0x27: {  	s1 =	sld [smem:$0x3FA9]  }
0x28: {  	s2 =	sld [smem:$0x3FAA]  }
0x29: {  	s4 =	sld [smem:$0x3FAC]  }
0x2a: {  	p0 =	seq.s32 s5, $0x0;
	s5 =	sld [smem:$0x3FAD]  }
0x2b: {  	s6 =	sld [smem:$0x3FAE]  }
0x2c: {  	s7 =	sld [smem:$0x3FAF]  }
0x2d: {  	s3 =	simm.s32 $0x108;
	s8 =	sld [smem:$0x3FB0]  }
0x2e: {  	s3 =	simm.s32 @!p0 $0x1082;
	s9 =	sld [smem:$0x3FB1]  }
0x2f: {  	lr =	sadd.s32 s0, s3;
	s0 =	sld [smem:$0x3FA8]  }
0x30: {  	s3 =	sld [smem:$0x3FAB]  }
0x31: {  	[smem:$0x3FB4] =	sst s10  }
0x32: {  	s10 =	sld [smem:$0x3FB2];
	_ =	sdelay $0x3  }
0x33: {  	p0 =	seq.s32 s10, $0x1;
	s10 =	sld [smem:$0x3FB4];
	_ =	sdelay $0x3  }
0x34: {  	[smem:$0x3FB4] =	sst s10  }
0x35: {  	s10 =	sld [smem:$0x3FB3];
	_ =	sdelay $0x3  }
0x36: {  	p1 =	seq.s32 s10, $0x1;
	s10 =	sld [smem:$0x3FB4];
	_ =	sdelay $0x3  }
0x37: {  	[smem:$0x3FB4] =	sst s10  }
0x38: {  	s10 =	sld [smem:$0x3FB5]  }
0x39: {  	_ = 	snop;
	(pc) =	sbr.ind lr, $3  }
0x3a: {  	_ = 	snop  }
0x3b: {  	_ = 	snop  }
0x3c: {  	p2 =	seq.s32 s10, $0x1;
	s10 =	sld [smem:$0x3FB4]  }
0x3d: {  	_ =	shalt  }
0x3e: {  	_ =	shalt  }
0x3f: {  	_ =	shalt  }
0x40: {  	_ =	shalt  }
0x41: {  	_ =	shalt  }
0x42: {  	_ =	shalt  }
0x43: {  	_ =	shalt  }
0x44: {  	_ =	shalt  }
0x45: {  	_ =	shalt  }
0x46: {  	_ =	shalt  }
0x47: {  	_ =	shalt  }
0x48: {  	_ =	shalt  }
0x49: {  	_ =	shalt  }
0x4a: {  	_ =	shalt  }
0x4b: {  	_ =	shalt  }
0x4c: {  	_ =	shalt  }
0x4d: {  	_ =	shalt  }
0x4e: {  	_ =	shalt  }
0x4f: {  	_ =	shalt  }
0x50: {  	_ =	shalt  }
0x51: {  	_ =	shalt  }
0x52: {  	_ =	shalt  }
0x53: {  	_ =	shalt  }
0x54: {  	_ =	shalt  }
0x55: {  	_ =	shalt  }
0x56: {  	_ =	shalt  }
0x57: {  	_ =	shalt  }
0x58: {  	_ =	shalt  }
0x59: {  	_ =	shalt  }
0x5a: {  	_ =	shalt  }
0x5b: {  	_ =	shalt  }
0x5c: {  	_ =	shalt  }
0x5d: {  	_ =	shalt  }
0x5e: {  	_ =	shalt  }
0x5f: {  	_ =	shalt  }
0x60: {  	_ =	shalt  }
0x61: {  	_ =	shalt  }
0x62: {  	_ =	shalt  }
0x63: {  	_ =	shalt  }
0x64: {  	_ =	shalt  }
0x65: {  	_ =	shalt  }
0x66: {  	_ =	shalt  }
0x67: {  	_ =	shalt  }
0x68: {  	_ =	shalt  }
0x69: {  	_ =	shalt  }
0x6a: {  	_ =	shalt  }
0x6b: {  	_ =	shalt  }
0x6c: {  	_ =	shalt  }
0x6d: {  	_ =	shalt  }
0x6e: {  	_ =	shalt  }
0x6f: {  	_ =	shalt  }
0x70: {  	_ =	shalt  }
0x71: {  	_ =	shalt  }
0x72: {  	_ =	shalt  }
0x73: {  	_ =	shalt  }
0x74: {  	_ =	shalt  }
0x75: {  	_ =	shalt  }
0x76: {  	_ =	shalt  }
0x77: {  	_ =	shalt  }
0x78: {  	_ =	shalt  }
0x79: {  	_ =	shalt  }
0x7a: {  	_ =	shalt  }
0x7b: {  	_ =	shalt  }
0x7c: {  	_ =	shalt  }
0x7d: {  	_ =	shalt  }
0x7e: {  	_ =	shalt  }
0x7f: {  	_ =	shalt  }
0x80: {  	_ =	shalt  }
0x81: {  	_ =	shalt  }
0x82: {  	_ =	shalt  }
0x83: {  	_ =	shalt  }
0x84: {  	_ =	shalt  }
0x85: {  	_ =	shalt  }
0x86: {  	_ =	shalt  }
0x87: {  	_ =	shalt  }
.Lfunc_end0:
.L_simem_size_0:
called_computation.2_lowered:
.L_overlay_start_0:
0x88: {  	s2 =	sld [smem:$0x3FD9]  }
0x89: {  	s3 =	sld [smem:$0x3FFE];
	_ =	sdelay $0x1  }
0x8a: {  	s1 =	srdreg.scid  }
0x8b: {  	s0 =	sand.u32 $0x1, s1  }
0x8c: {  	s17 =	sshll.u32 s0, $0xA;
	s2 =	sadd.s32 s3, s2  }
0x8d: {  	s2 =	sadd.s32 s2, s17  }
0x8e: {  	[smem:$0x3FC0] =	sst s2  }
0x8f: {  	_ = 	snop  }
0x90: {  	s2 =	sld [smem:$0x3FD0];
	(tm) =	ssettm $0x1  }
0x91: {  	s18 =	sld [smem:$0x3FFB];
	_ =	sdelay $0x3  }
0x92: {  	_ =	strace s18  }
0x93: {  	s3 =	sld [smem:$0x3FFC];
	_ =	sdelay $0x3  }
0x94: {  	_ =	strace s3  }
0x95: {  	s3 =	sld [smem:$0x3FFD];
	_ =	sdelay $0x3  }
0x96: {  	_ =	strace s3  }
0x97: {  	_ =	strace $0x8FFFFFFF  }
0x98: {  	s19 =	sld [smem:$0x3FDB];
	_ =	sdelay $0x1  }
0x99: {  	s4 =	simm.s32 $_scs_section_size  }
0x9a: {  	s5 =	simm.s32 $_size__tile_overlayer_lowered;
	s6 =	simm.s32 $_tile_overlayer_lowered  }
0x9b: {  	s22 =	simm.s32 $0x1BFF;
	s21 =	sshll.u32 s6, $0x1;
	s3 =	sadd.s32 s4, s19  }
0x9c: {  	s7 =	simm.s32 $0x0;
	s20 =	sshll.u32 s5, $0x1;
	s5 =	sadd.s32 s21, s3  }
0x9d: {  	[timem:s7], [sflag:s22] =	dma.local [hbm:s5], s20  }
0x9e: {  	_ =	swait.ge [sflag:s22], s20  }
0x9f: {  	s4 =	ssub.s32 $0x0, s20;
	[sflag:s22] =	ssyncset.done $0x0  }
0xa0: {  	[sflag:s22] =	ssyncadd.s32 s4;
	_ =	sdelay $0x1  }
0xa1: {  	s23 =	simm.s32 $0x1B8B  }
0xa2: {  	_ =	swait.ge [sflag:s23], $0x1  }
0xa3: {  	[sflag:s23] =	ssyncset.done $0x0  }
0xa4: {  	s25 =	simm.s32 $0x1B8E;
	s24 =	sld [smem:$0x3FFE];
	[sflag:s23] =	ssyncadd.s32 $0xFFFFFFFF  }
0xa5: {  	s26 =	simm.s32 $execute0_lowered;
	[smem:$0x3FD2] =	sst s25  }
0xa6: {  	s5 =	sshll.u32 s26, $0x1;
	_ =	strace $0x8000004C;
	[dreg:$0x1] =	wrdreg $0xFFFFFFFF  }
0xa7: {  	s28 =	simm.s32 $_size_execute0_lowered;
	s3 =	sadd.s32 s3, s5;
	[dreg:$0x0] =	wrdreg $0x0  }
0xa8: {  	s5 =	sshll.u32 s28, $0x1;
	[dreg:$0x2] =	wrdreg s3  }
0xa9: {  	[dreg:$0x3] =	wrdreg s5  }
0xaa: {  	[dreg:$0x4] =	wrdreg $0xC0  }
0xab: {  	_ =	task [dreg:s7], $0x5FFFF  }
0xac: {  	[dreg:$0x1] =	wrdreg $0xFFFFFFFF  }
0xad: {  	[dreg:$0x0] =	wrdreg $0x60  }
0xae: {  	[dreg:$0x2] =	wrdreg s24  }
0xaf: {  	[dreg:$0x3] =	wrdreg s2  }
0xb0: {  	[dreg:$0x4] =	wrdreg $0xA8000  }
0xb1: {  	[dreg:$0x5] =	wrdreg $0x9  }
0xb2: {  	_ =	task.clear_ibuf [dreg:s7], $0x6FFFF;
	_ =	strace $0x9000004C  }
0xb3: {  	s29 =	simm.s32 $0x9;
	_ =	strace $0x8000004E  }
0xb4: {  	_ =	swait.ge [sflag:s29], $0x1  }
0xb5: {  	[sflag:s29] =	ssyncadd.s32 $0xFFFFFFFF  }
0xb6: {  	_ =	strace $0x9000004E  }
0xb7: {  	_ =	sfence  }
0xb8: {  	s30 =	sld [smem:$0x0];
	_ =	sdelay $0x2  }
0xb9: {  	s31 =	sshll.u32 s1, $0xD;
	s1 =	sshrl.u32 s1, $0x2  }
0xba: {  	s3 =	sand.u32 $0x4000, s31;
	s1 =	sadd.s32 s1, s30  }
0xbb: {  	s0 =	sor.u32 s3, s0;
	s1 =	sshll.u32 s1, $0x11  }
0xbc: {  	s0 =	sor.u32 s1, s0  }
0xbd: {  	s0 =	sadd.s32 $0x8F2B, s0  }
0xbe: {  	[sflag:s0] =	ssyncadd.remote.s32 $0x1  }
0xbf: {  	_ =	sfence.sel $0xFFFF  }
0xc0: {  	[dreg:$0x0] =	wrdreg $0xFFFFFFFF;
	(pc) =	sbr.abs _section_cstart, $3  }
0xc1: {  	[dreg:$0x1] =	wrdreg $0xFFFFFFFF  }
0xc2: {  	_ =	task.clear_ibuf [dreg:s7], $0x2FFFF;
	_ =	strace $0x9FFFFFFF  }
0xc3: {  	(tm) =	ssettm $0x7FFFFFFF  }
tec
execute0_lowered:
.L_overlay_start_1:
0x0: {  	(tag) =	ssettag $0x1  }
0x1: {  	s5 =	rddreg [dreg:$0x0]  }
0x2: {  	s9 =	rddreg [dreg:$0x1]  }
0x3: {  	s2 =	rddreg [dreg:$0x2]  }
0x4: {  	s0 =	rddreg [dreg:$0x3]  }
0x5: {  	s1 =	stileid.u32;
	s4 =	srdreg.scid;
	s3 =	simm.s32 $0x0  }
0x6: {  	s16 =	simm.s32 $0x80;
	s17 =	simm.s32 $0x6800;
	s6 =	smul.u32 $0x13C00, s1  }
0x7: {  	s18 =	simm.s32 $0x1;
	s7 =	sand.u32 $0x1, s4;
	s11 =	smul.u32 $0x4F000, s1  }
0x8: {  	[smem:$0x7FF] =	sst s3;
	s4 =	sadd.s32 $0xCC00, s5;
	s13 =	smul.u32 $0x3400, s1  }
0x9: {  	s10 =	sadd.s32 $0x2C00, s5;
	s29 =	sshll.u32 s1, $0x6;
	s30 =	smul.u32 $0x380, s1  }
0xa: {  	s8 =	smul.u32 $0x13C000, s7;
	_ =	strace $0x8000004D;
	s26 =	ssub.s32 $0x2, s7  }
0xb: {  	p0 =	seq.s32 s7, $0x1;
	s28 =	sshrl.u32 s26, $0x1;
	s11 =	sshrl.u32 s11, $0x2  }
0xc: {  	s31 =	sshrl.u32 s13, $0x3;
	s7 =	sadd.s32 s9, s30;
	s8 =	sadd.s32 s6, s8  }
0xd: {  	s6 =	sshrl.u32 s6, $0x3;
	s14 =	ssub.s32 s26, s28;
	s15 =	sadd.s32 s11, s2  }
.Ltmp0:
0xe: {  	s11 =	sadd.s32 $0x3800, s31;
	s8 =	sshrl.u32 s8, $0x3;
	(pc) =	sbr.rel .LBB2_1-.Ltmp0, $4  }
0xf: {  	s6 =	sadd.s32 s6, s5;
	s9 =	sadd.s32 s9, s11;
	s13 =	sshrl.u32 s15, $0x3  }
0x10: {  	s15 =	simm.s32 $0x3400;
	s12 =	sadd.s32 s8, s5;
	s5 =	sadd.s32 $0x33E00, s6  }
0x11: {  	s6 =	sor.u32 $0x1C02, s29;
	s8 =	sadd.s32 s10, s30;
	s10 =	sadd.s32 s10, s11  }
0x12: {  	s11 =	sadd.s32 $0x5B600, s12;
	s12 =	smax.u32 s14, $0x1;
	s14 =	simm.s32 $0x2  }
.LBB2_7:
0x13: {  	s19 =	sshra.s32 s19, $0x2;
	[sflag:s14] =	ssyncadd.s32 $0xFFFFC000  }
0x14: {  	[tilespmem:s17], [sflag:$0x1] =	stream.indirect.gather [hbm4b:s4+s16], $0x80, s19, s16, $0xb8;
	[tilespmem:$0x1E400] =	vst v63  }
0x15: {  	_ =	swait.ge [sflag:s18], $0x4000  }
0x16: {  	[sflag:s18] =	ssyncset.done $0x0  }
0x17: {  	s19 =	sadd.s32 $0x3400, s19;
	[sflag:s18] =	ssyncadd.s32 $0xFFFFC000  }
0x18: {  	[spmem:s2] =	stream.indirect.scatter.add.f32 [tilespmem:s17], [sflag:$0x2], $0x80, s19, s16, $0xb8;
	[tilespmem:$0x1E400] =	vst v63  }
0x19: {  	_ =	swait.ge [sflag:s14], $0x4000  }
0x1a: {  	[sflag:s14] =	ssyncset.done $0x0  }
0x1b: {  	[sflag:s14] =	ssyncadd.s32 $0xFFFFC000  }
.LBB2_8:
0x1c: {  	s3 =	sadd.s32 $0x1, s3  }
0x1d: {  	p1 =	sne.s32 s3, s12  }
.Ltmp1:
0x1e: {  	[bflag:$0x0] =	sbarrier.arrive $0xFFFF;
	(pc) =	sbr.rel @!p1 .LBB2_9-.Ltmp1, $4  }
0x1f: {  	[hbm:s11], [sflag:s6] =	dma.local [spmem:s13], $0x2780  }
0x20: {  	_ =	swait.ge [sflag:s14], $0x2780  }
0x21: {  	[sflag:s14] =	ssyncset.done $0x0  }
0x22: {  	[sflag:s14] =	ssyncadd.s32 $0xFFFFD880  }
.LBB2_1:
.Ltmp2:
0x23: {  	(pc) =	sbr.rel @!p0 .LBB2_2-.Ltmp2, $4  }
0x24: {  	[spmem:s13], [sflag:s6] =	dma.local [hbm:s5], $0x2780  }
0x25: {  	_ =	swait.ge [sflag:s14], $0x2780  }
0x26: {  	[sflag:s14] =	ssyncset.done $0x0  }
0x27: {  	s19 =	simm.s32 $0x0;
	[sflag:s14] =	ssyncadd.s32 $0xFFFFD880  }
0x28: {  	[tilespmem:s19], [sflag:$0x2] =	stream.linear.gather [hbm4b:s9+s19], $0x3400, $0x38;
	[tilespmem:$0x1E400] =	vst v63  }
0x29: {  	_ =	swait.ge [sflag:s14], $0x3400  }
0x2a: {  	[sflag:s14] =	ssyncset.done $0x0  }
0x2b: {  	[sflag:s14] =	ssyncadd.s32 $0xFFFFCC00  }
0x2c: {  	[tilespmem:s15], [sflag:$0x2] =	stream.linear.gather [hbm4b:s10+s19], $0x3400, $0x38;
	[tilespmem:$0x1E400] =	vst v63  }
0x2d: {  	_ =	swait.ge [sflag:s14], $0x3400  }
0x2e: {  	[sflag:s14] =	ssyncset.done $0x0  }
0x2f: {  	[sflag:s14] =	ssyncadd.s32 $0xFFFFCC00  }
0x30: {  	s30 =	simm.s32 $0x0;
	[bflag:$0x0] =	sbarrier.arrive $0xFFFF  }
0x31: {  	[tilespmem:s17], [sflag:$0x1] =	stream.indirect.gather [hbm4b:s4+s16], $0x80, s30, s16, $0xb8;
	[tilespmem:$0x1E400] =	vst v63  }
0x32: {  	_ =	swait.ge [sflag:s18], $0x4000  }
0x33: {  	[sflag:s18] =	ssyncset.done $0x0  }
0x34: {  	s31 =	simm.s32 $0x3400;
	[sflag:s18] =	ssyncadd.s32 $0xFFFFC000  }
0x35: {  	[spmem:s2] =	stream.indirect.scatter.add.f32 [tilespmem:s17], [sflag:$0x2], $0x80, s31, s16, $0xb8;
	[tilespmem:$0x1E400] =	vst v63  }
0x36: {  	_ =	swait.ge [sflag:s14], $0x4000  }
0x37: {  	s20 =	simm.s32 $0x400;
	s19 =	simm.s32 $0x200;
	[sflag:s14] =	ssyncset.done $0x0  }
.LBB2_6:
0x38: {  	s21 =	sshra.s32 s19, $0x2  }
0x39: {  	[sflag:s14] =	ssyncadd.s32 $0xFFFFC000;
	s19 =	smov.u32 s20;
	s22 =	sadd.s32 $0x200, s20  }
0x3a: {  	[tilespmem:s17], [sflag:$0x1] =	stream.indirect.gather [hbm4b:s4+s16], $0x80, s21, s16, $0xb8;
	[tilespmem:$0x1E400] =	vst v63  }
0x3b: {  	p1 =	sne.s32 s20, $0xCE00;
	_ =	swait.ge [sflag:s18], $0x4000  }
.Ltmp3:
0x3c: {  	[sflag:s18] =	ssyncset.done $0x0;
	(pc) =	sbr.rel @p1 .LBB2_6-.Ltmp3, $4  }
0x3d: {  	s20 =	sadd.s32 $0x3400, s21;
	[sflag:s18] =	ssyncadd.s32 $0xFFFFC000  }
0x3e: {  	[spmem:s2] =	stream.indirect.scatter.add.f32 [tilespmem:s17], [sflag:$0x2], $0x80, s20, s16, $0xb8;
	[tilespmem:$0x1E400] =	vst v63  }
0x3f: {  	_ =	swait.ge [sflag:s14], $0x4000  }
0x40: {  	s20 =	smov.u32 s22;
	[sflag:s14] =	ssyncset.done $0x0  }
.Ltmp4:
0x41: {  	_ = 	snop;
	(pc) =	sbr.rel .LBB2_7-.Ltmp4, $1  }
0x42: {  	_ =	sdelay $0x3  }
.LBB2_2:
0x43: {  	[tilespmem:s19], [sflag:$0x2] =	stream.linear.gather [hbm4b:s7+s19], $0x1C00, $0x38;
	[tilespmem:$0x1E400] =	vst v63  }
0x44: {  	_ =	swait.ge [sflag:s14], $0x1C00  }
0x45: {  	[sflag:s14] =	ssyncset.done $0x0  }
0x46: {  	[sflag:s14] =	ssyncadd.s32 $0xFFFFE400  }
0x47: {  	[tilespmem:s15], [sflag:$0x2] =	stream.linear.gather [hbm4b:s8+s19], $0x1C00, $0x38;
	[tilespmem:$0x1E400] =	vst v63  }
0x48: {  	_ =	swait.ge [sflag:s14], $0x1C00  }
0x49: {  	[sflag:s14] =	ssyncset.done $0x0  }
0x4a: {  	[sflag:s14] =	ssyncadd.s32 $0xFFFFE400  }
0x4b: {  	s30 =	simm.s32 $0x0;
	[bflag:$0x0] =	sbarrier.arrive $0xFFFF  }
0x4c: {  	[tilespmem:s17], [sflag:$0x1] =	stream.indirect.gather [hbm4b:s4+s16], $0x80, s30, s16, $0xb8;
	[tilespmem:$0x1E400] =	vst v63  }
0x4d: {  	_ =	swait.ge [sflag:s18], $0x4000  }
0x4e: {  	[sflag:s18] =	ssyncset.done $0x0  }
0x4f: {  	s31 =	simm.s32 $0x3400;
	[sflag:s18] =	ssyncadd.s32 $0xFFFFC000  }
0x50: {  	[spmem:s2] =	stream.indirect.scatter.add.f32 [tilespmem:s17], [sflag:$0x2], $0x80, s31, s16, $0xb8;
	[tilespmem:$0x1E400] =	vst v63  }
0x51: {  	_ =	swait.ge [sflag:s14], $0x4000  }
0x52: {  	s20 =	simm.s32 $0x400;
	s19 =	simm.s32 $0x200;
	[sflag:s14] =	ssyncset.done $0x0  }
.LBB2_3:
0x53: {  	s21 =	sshra.s32 s19, $0x2  }
0x54: {  	[sflag:s14] =	ssyncadd.s32 $0xFFFFC000;
	s19 =	smov.u32 s20;
	s22 =	sadd.s32 $0x200, s20  }
0x55: {  	[tilespmem:s17], [sflag:$0x1] =	stream.indirect.gather [hbm4b:s4+s16], $0x80, s21, s16, $0xb8;
	[tilespmem:$0x1E400] =	vst v63  }
0x56: {  	p1 =	seq.s32 s20, $0x6E00;
	_ =	swait.ge [sflag:s18], $0x4000  }
.Ltmp5:
0x57: {  	[sflag:s18] =	ssyncset.done $0x0;
	(pc) =	sbr.rel @!p1 .LBB2_3-.Ltmp5, $4  }
0x58: {  	s20 =	sadd.s32 $0x3400, s21;
	[sflag:s18] =	ssyncadd.s32 $0xFFFFC000  }
0x59: {  	[spmem:s2] =	stream.indirect.scatter.add.f32 [tilespmem:s17], [sflag:$0x2], $0x80, s20, s16, $0xb8;
	[tilespmem:$0x1E400] =	vst v63  }
0x5a: {  	_ =	swait.ge [sflag:s14], $0x4000  }
0x5b: {  	s20 =	smov.u32 s22;
	[sflag:s14] =	ssyncset.done $0x0  }
0x5c: {  	s19 =	sshra.s32 s19, $0x2;
	[sflag:s14] =	ssyncadd.s32 $0xFFFFC000  }
0x5d: {  	[tilespmem:s17], [sflag:$0x1] =	stream.indirect.gather [hbm4b:s4+s16], $0x80, s19, s16, $0xb8;
	[tilespmem:$0x1E400] =	vst v63  }
0x5e: {  	_ =	swait.ge [sflag:s18], $0x4000  }
0x5f: {  	[sflag:s18] =	ssyncset.done $0x0  }
.Ltmp6:
0x60: {  	s19 =	sadd.s32 $0x3400, s19;
	[sflag:s18] =	ssyncadd.s32 $0xFFFFC000;
	(pc) =	sbr.rel .LBB2_8-.Ltmp6, $4  }
0x61: {  	[spmem:s2] =	stream.indirect.scatter.add.f32 [tilespmem:s17], [sflag:$0x2], $0x80, s19, s16, $0xb8;
	[tilespmem:$0x1E400] =	vst v63  }
0x62: {  	_ =	swait.ge [sflag:s14], $0x4000  }
0x63: {  	[sflag:s14] =	ssyncset.done $0x0  }
0x64: {  	[sflag:s14] =	ssyncadd.s32 $0xFFFFC000  }
.LBB2_9:
0x65: {  	_ =	sfence.sel $0x180000  }
0x66: {  	[bflag:$0x0] =	sbarrier.arrive $0xFFFF  }
0x67: {  	p0 =	sne.s32 s1, $0x0;
	_ =	strace $0x9000004D  }
0x68: {  	s0 =	sadd.s32 @!p0 $0x100000, s0;
	[bflag:$0x2] =	sbarrier.arrive $0xFFFF  }
0x69: {  	[sflag:s0] =	ssyncadd.tile.s32 @!p0 $0x1;
	_ =	shalt  }
.Lfunc_end2:
_tile_overlayer_lowered:
.L_overlay_start_2:
0x6a: {  	(tag) =	ssettag $0x2  }
0x6b: {  	s0 =	rddreg [dreg:$0x0];
	s2 =	stileid.u32  }
0x6c: {  	s1 =	rddreg [dreg:$0x1];
	p0 =	sne.s32 s2, $0x0  }
0x6d: {  	s3 =	rddreg [dreg:$0x2];
	[bflag:$0x3] =	sbarrier.arrive $0xFFFF;
	s2 =	simm.s32 @!p0 $0x1C02  }
0x6e: {  	[timem:s3], [sflag:s2] =	dma.local @!p0 [hbm:s0], s1  }
0x6f: {  	s0 =	simm.s32 @!p0 $0x2  }
0x70: {  	_ =	swait.ge @!p0 [sflag:s0], s1  }
0x71: {  	s1 =	ssub.s32 @!p0 $0x0, s1;
	[sflag:s0] =	ssyncset.done @!p0 $0x0  }
0x72: {  	[sflag:s0] =	ssyncadd.s32 @!p0 s1  }
0x73: {  	[bflag:$0x3] =	sbarrier.arrive $0xFFFF  }
0x74: {  	_ =	shalt  }

// kernel: kernel.19.cloned.1.call-start
scs
__scs_entry_jumppad:
0x0: {  	(pc) =	sbr.rel $0x88, $3  }
0x1: {  	(tag) =	ssettag $0x0;
	lr =	simm.s32 $0x1  }
0x2: {  	[smem:$0x3F99] =	sst lr;
	_ =	strace $0xD0000000  }
0x3: {  	_ = 	snop  }
0x4: {  	_ = 	snop  }
0x5: {  	_ = 	snop  }
0x6: {  	_ = 	snop  }
0x7: {  	_ = 	snop  }
__scs_overlays_trampoline_lowered:
0x8: {  	[smem:$0x3FA8] =	sst s0  }
0x9: {  	[smem:$0x3FA9] =	sst s1  }
0xa: {  	[smem:$0x3FAA] =	sst s2  }
0xb: {  	[smem:$0x3FAB] =	sst s3  }
0xc: {  	[smem:$0x3FAC] =	sst s4  }
0xd: {  	[smem:$0x3FAD] =	sst s5  }
0xe: {  	[smem:$0x3FAE] =	sst s6  }
0xf: {  	[smem:$0x3FAF] =	sst s7  }
0x10: {  	[smem:$0x3FB0] =	sst s8  }
0x11: {  	[smem:$0x3FB1] =	sst s9;
	s0 =	simm.s32 @!p0 $0x0  }
0x12: {  	s1 =	sld [smem:$0x3F97];
	s0 =	simm.s32 @p0 $0x1  }
0x13: {  	[smem:$0x3FB2] =	sst s0;
	s0 =	simm.s32 @!p1 $0x0  }
0x14: {  	s2 =	sld [smem:$0x3F96];
	s0 =	simm.s32 @p1 $0x1  }
0x15: {  	[smem:$0x3FB3] =	sst s0;
	s0 =	simm.s32 @!p2 $0x0  }
0x16: {  	s3 =	sld [smem:$0x3FDB];
	s0 =	simm.s32 @p2 $0x1  }
0x17: {  	s4 =	simm.s32 $0x1BF5;
	[smem:$0x3FB5] =	sst s0  }
0x18: {  	s0 =	sld [smem:$0x3F98];
	_ =	swait.ge [sflag:s4], $0x0  }
0x19: {  	s7 =	sld [smem:$0x3F99]  }
0x1a: {  	s8 =	sadd.s32 $0xFFFFE003, lr  }
0x1b: {  	s9 =	sadd.s32 $0xFFFFFEF7, lr;
	s5 =	simm.s32 $0xFFFFFFFF;
	p2 =	slt.u32 s8, $0xFFFFF086  }
0x1c: {  	p1 =	slt.u32 s9, $0xF7A;
	s5 =	simm.s32 @!p2 $0x0  }
0x1d: {  	s5 =	simm.s32 @p1 $0x1;
	p0 =	seq.s32 s7, s2  }
0x1e: {  	s7 =	smul.u32 @!p0 $0xF7A, s2;
	p2 =	seq.s32 @!p0 s5, $0x0  }
0x1f: {  	s9 =	smul.u32 $0xF7A, s1;
	s8 =	simm.s32 @!p0 $0x1BF5;
	p2 =	por !p2, p0  }
0x20: {  	[sflag:s8] =	ssyncset.s32 @!p0 $0xFFFFF086;
	s6 =	sadd.s32 @!p0 s3, s7;
	s7 =	simm.s32 @!p0 $0x108  }
0x21: {  	s3 =	sadd.s32 s3, s9;
	s6 =	sadd.s32 @!p0 $0x88, s6;
	s7 =	simm.s32 @p2 $0x1082  }
0x22: {  	[simem:s7], [sflag:s8] =	dma.local @!p0 [hbm:s6], $0xF7A  }
0x23: {  	s9 =	sor.u32 $0xD0000000, s2;
	s6 =	simm.s32 $0x108;
	_ =	swait.ge @!p0 [sflag:s8], $0x0  }
0x24: {  	s3 =	sadd.s32 $0x88, s3;
	s6 =	simm.s32 @!p1 $0x1082;
	[sflag:s4] =	ssyncset.s32 $0xFFFFF086  }
0x25: {  	[simem:s6], [sflag:s4] =	dma.local [hbm:s3], $0xF7A  }
0x26: {  	[smem:$0x3F99] =	sst s1;
	(tag) =	ssettag s2;
	_ =	strace s9  }
0x27: {  	s1 =	sld [smem:$0x3FA9]  }
0x28: {  	s2 =	sld [smem:$0x3FAA]  }
0x29: {  	s4 =	sld [smem:$0x3FAC]  }
0x2a: {  	p0 =	seq.s32 s5, $0x0;
	s5 =	sld [smem:$0x3FAD]  }
0x2b: {  	s6 =	sld [smem:$0x3FAE]  }
0x2c: {  	s7 =	sld [smem:$0x3FAF]  }
0x2d: {  	s3 =	simm.s32 $0x108;
	s8 =	sld [smem:$0x3FB0]  }
0x2e: {  	s3 =	simm.s32 @!p0 $0x1082;
	s9 =	sld [smem:$0x3FB1]  }
0x2f: {  	lr =	sadd.s32 s0, s3;
	s0 =	sld [smem:$0x3FA8]  }
0x30: {  	s3 =	sld [smem:$0x3FAB]  }
0x31: {  	[smem:$0x3FB4] =	sst s10  }
0x32: {  	s10 =	sld [smem:$0x3FB2];
	_ =	sdelay $0x3  }
0x33: {  	p0 =	seq.s32 s10, $0x1;
	s10 =	sld [smem:$0x3FB4];
	_ =	sdelay $0x3  }
0x34: {  	[smem:$0x3FB4] =	sst s10  }
0x35: {  	s10 =	sld [smem:$0x3FB3];
	_ =	sdelay $0x3  }
0x36: {  	p1 =	seq.s32 s10, $0x1;
	s10 =	sld [smem:$0x3FB4];
	_ =	sdelay $0x3  }
0x37: {  	[smem:$0x3FB4] =	sst s10  }
0x38: {  	s10 =	sld [smem:$0x3FB5]  }
0x39: {  	_ = 	snop;
	(pc) =	sbr.ind lr, $3  }
0x3a: {  	_ = 	snop  }
0x3b: {  	_ = 	snop  }
0x3c: {  	p2 =	seq.s32 s10, $0x1;
	s10 =	sld [smem:$0x3FB4]  }
0x3d: {  	_ =	shalt  }
0x3e: {  	_ =	shalt  }
0x3f: {  	_ =	shalt  }
0x40: {  	_ =	shalt  }
0x41: {  	_ =	shalt  }
0x42: {  	_ =	shalt  }
0x43: {  	_ =	shalt  }
0x44: {  	_ =	shalt  }
0x45: {  	_ =	shalt  }
0x46: {  	_ =	shalt  }
0x47: {  	_ =	shalt  }
0x48: {  	_ =	shalt  }
0x49: {  	_ =	shalt  }
0x4a: {  	_ =	shalt  }
0x4b: {  	_ =	shalt  }
0x4c: {  	_ =	shalt  }
0x4d: {  	_ =	shalt  }
0x4e: {  	_ =	shalt  }
0x4f: {  	_ =	shalt  }
0x50: {  	_ =	shalt  }
0x51: {  	_ =	shalt  }
0x52: {  	_ =	shalt  }
0x53: {  	_ =	shalt  }
0x54: {  	_ =	shalt  }
0x55: {  	_ =	shalt  }
0x56: {  	_ =	shalt  }
0x57: {  	_ =	shalt  }
0x58: {  	_ =	shalt  }
0x59: {  	_ =	shalt  }
0x5a: {  	_ =	shalt  }
0x5b: {  	_ =	shalt  }
0x5c: {  	_ =	shalt  }
0x5d: {  	_ =	shalt  }
0x5e: {  	_ =	shalt  }
0x5f: {  	_ =	shalt  }
0x60: {  	_ =	shalt  }
0x61: {  	_ =	shalt  }
0x62: {  	_ =	shalt  }
0x63: {  	_ =	shalt  }
0x64: {  	_ =	shalt  }
0x65: {  	_ =	shalt  }
0x66: {  	_ =	shalt  }
0x67: {  	_ =	shalt  }
0x68: {  	_ =	shalt  }
0x69: {  	_ =	shalt  }
0x6a: {  	_ =	shalt  }
0x6b: {  	_ =	shalt  }
0x6c: {  	_ =	shalt  }
0x6d: {  	_ =	shalt  }
0x6e: {  	_ =	shalt  }
0x6f: {  	_ =	shalt  }
0x70: {  	_ =	shalt  }
0x71: {  	_ =	shalt  }
0x72: {  	_ =	shalt  }
0x73: {  	_ =	shalt  }
0x74: {  	_ =	shalt  }
0x75: {  	_ =	shalt  }
0x76: {  	_ =	shalt  }
0x77: {  	_ =	shalt  }
0x78: {  	_ =	shalt  }
0x79: {  	_ =	shalt  }
0x7a: {  	_ =	shalt  }
0x7b: {  	_ =	shalt  }
0x7c: {  	_ =	shalt  }
0x7d: {  	_ =	shalt  }
0x7e: {  	_ =	shalt  }
0x7f: {  	_ =	shalt  }
0x80: {  	_ =	shalt  }
0x81: {  	_ =	shalt  }
0x82: {  	_ =	shalt  }
0x83: {  	_ =	shalt  }
0x84: {  	_ =	shalt  }
0x85: {  	_ =	shalt  }
0x86: {  	_ =	shalt  }
0x87: {  	_ =	shalt  }
.Lfunc_end0:
.L_simem_size_0:
called_computation.3_lowered:
.L_overlay_start_0:
0x88: {  	s2 =	sld [smem:$0x3FD9]  }
0x89: {  	s3 =	sld [smem:$0x3FFE];
	_ =	sdelay $0x1  }
0x8a: {  	s1 =	srdreg.scid  }
0x8b: {  	s0 =	sand.u32 $0x1, s1  }
0x8c: {  	s17 =	sshll.u32 s0, $0xA;
	s2 =	sadd.s32 s3, s2  }
0x8d: {  	s2 =	sadd.s32 s2, s17  }
0x8e: {  	[smem:$0x3FC0] =	sst s2  }
0x8f: {  	_ = 	snop  }
0x90: {  	s2 =	sld [smem:$0x3FD0];
	(tm) =	ssettm $0x1  }
0x91: {  	s18 =	sld [smem:$0x3FFB];
	_ =	sdelay $0x3  }
0x92: {  	_ =	strace s18  }
0x93: {  	s3 =	sld [smem:$0x3FFC];
	_ =	sdelay $0x3  }
0x94: {  	_ =	strace s3  }
0x95: {  	s3 =	sld [smem:$0x3FFD];
	_ =	sdelay $0x3  }
0x96: {  	_ =	strace s3  }
0x97: {  	_ =	strace $0x8FFFFFFF  }
0x98: {  	s19 =	sld [smem:$0x3FDB];
	_ =	sdelay $0x1  }
0x99: {  	s4 =	simm.s32 $_scs_section_size  }
0x9a: {  	s5 =	simm.s32 $_size__tile_overlayer_lowered;
	s6 =	simm.s32 $_tile_overlayer_lowered  }
0x9b: {  	s22 =	simm.s32 $0x1BFF;
	s21 =	sshll.u32 s6, $0x1;
	s3 =	sadd.s32 s4, s19  }
0x9c: {  	s7 =	simm.s32 $0x0;
	s20 =	sshll.u32 s5, $0x1;
	s5 =	sadd.s32 s21, s3  }
0x9d: {  	[timem:s7], [sflag:s22] =	dma.local [hbm:s5], s20  }
0x9e: {  	_ =	swait.ge [sflag:s22], s20  }
0x9f: {  	s4 =	ssub.s32 $0x0, s20;
	[sflag:s22] =	ssyncset.done $0x0  }
0xa0: {  	[sflag:s22] =	ssyncadd.s32 s4;
	_ =	sdelay $0x1  }
0xa1: {  	s23 =	simm.s32 $0x1B8B  }
0xa2: {  	_ =	swait.ge [sflag:s23], $0x1  }
0xa3: {  	[sflag:s23] =	ssyncset.done $0x0  }
0xa4: {  	s25 =	simm.s32 $0x1B8E;
	s24 =	sld [smem:$0x3FFE];
	[sflag:s23] =	ssyncadd.s32 $0xFFFFFFFF  }
0xa5: {  	s26 =	simm.s32 $execute0_lowered;
	[smem:$0x3FD2] =	sst s25  }
0xa6: {  	s5 =	sshll.u32 s26, $0x1;
	_ =	strace $0x8000004F;
	[dreg:$0x1] =	wrdreg $0xFFFFFFFF  }
0xa7: {  	s28 =	simm.s32 $_size_execute0_lowered;
	s3 =	sadd.s32 s3, s5;
	[dreg:$0x0] =	wrdreg $0x0  }
0xa8: {  	s5 =	sshll.u32 s28, $0x1;
	[dreg:$0x2] =	wrdreg s3  }
0xa9: {  	[dreg:$0x3] =	wrdreg s5  }
0xaa: {  	[dreg:$0x4] =	wrdreg $0xC0  }
0xab: {  	_ =	task [dreg:s7], $0x5FFFF  }
0xac: {  	[dreg:$0x1] =	wrdreg $0xFFFFFFFF  }
0xad: {  	[dreg:$0x0] =	wrdreg $0x60  }
0xae: {  	[dreg:$0x2] =	wrdreg s24  }
0xaf: {  	[dreg:$0x3] =	wrdreg s2  }
0xb0: {  	[dreg:$0x4] =	wrdreg $0xA8000  }
0xb1: {  	[dreg:$0x5] =	wrdreg $0x9  }
0xb2: {  	_ =	task.clear_ibuf [dreg:s7], $0x6FFFF;
	_ =	strace $0x9000004F  }
0xb3: {  	s29 =	simm.s32 $0x9;
	_ =	strace $0x80000051  }
0xb4: {  	_ =	swait.ge [sflag:s29], $0x1  }
0xb5: {  	[sflag:s29] =	ssyncadd.s32 $0xFFFFFFFF  }
0xb6: {  	_ =	strace $0x90000051  }
0xb7: {  	_ =	sfence  }
0xb8: {  	s30 =	sld [smem:$0x0];
	_ =	sdelay $0x2  }
0xb9: {  	s31 =	sshll.u32 s1, $0xD;
	s1 =	sshrl.u32 s1, $0x2  }
0xba: {  	s3 =	sand.u32 $0x4000, s31;
	s1 =	sadd.s32 s1, s30  }
0xbb: {  	s0 =	sor.u32 s3, s0;
	s1 =	sshll.u32 s1, $0x11  }
0xbc: {  	s0 =	sor.u32 s1, s0  }
0xbd: {  	s0 =	sadd.s32 $0x8F2B, s0  }
0xbe: {  	[sflag:s0] =	ssyncadd.remote.s32 $0x1  }
0xbf: {  	_ =	sfence.sel $0xFFFF  }
0xc0: {  	[dreg:$0x0] =	wrdreg $0xFFFFFFFF;
	(pc) =	sbr.abs _section_cstart, $3  }
0xc1: {  	[dreg:$0x1] =	wrdreg $0xFFFFFFFF  }
0xc2: {  	_ =	task.clear_ibuf [dreg:s7], $0x2FFFF;
	_ =	strace $0x9FFFFFFF  }
0xc3: {  	(tm) =	ssettm $0x7FFFFFFF  }
tec
execute0_lowered:
.L_overlay_start_1:
0x0: {  	(tag) =	ssettag $0x1  }
0x1: {  	s5 =	rddreg [dreg:$0x0]  }
0x2: {  	s9 =	rddreg [dreg:$0x1]  }
0x3: {  	s2 =	rddreg [dreg:$0x2]  }
0x4: {  	s0 =	rddreg [dreg:$0x3]  }
0x5: {  	s1 =	stileid.u32;
	s4 =	srdreg.scid;
	s3 =	simm.s32 $0x0  }
0x6: {  	s16 =	simm.s32 $0x80;
	s17 =	simm.s32 $0x6800;
	s6 =	smul.u32 $0x13C00, s1  }
0x7: {  	s18 =	simm.s32 $0x1;
	s7 =	sand.u32 $0x1, s4;
	s11 =	smul.u32 $0x4F000, s1  }
0x8: {  	[smem:$0x7FF] =	sst s3;
	s4 =	sadd.s32 $0xCC00, s5;
	s13 =	smul.u32 $0x3400, s1  }
0x9: {  	s10 =	sadd.s32 $0x2C00, s5;
	s29 =	sshll.u32 s1, $0x6;
	s30 =	smul.u32 $0x380, s1  }
0xa: {  	s8 =	smul.u32 $0x13C000, s7;
	_ =	strace $0x80000050;
	s26 =	ssub.s32 $0x2, s7  }
0xb: {  	p0 =	seq.s32 s7, $0x1;
	s28 =	sshrl.u32 s26, $0x1;
	s11 =	sshrl.u32 s11, $0x2  }
0xc: {  	s31 =	sshrl.u32 s13, $0x3;
	s7 =	sadd.s32 s9, s30;
	s8 =	sadd.s32 s6, s8  }
0xd: {  	s6 =	sshrl.u32 s6, $0x3;
	s14 =	ssub.s32 s26, s28;
	s15 =	sadd.s32 s11, s2  }
.Ltmp0:
0xe: {  	s11 =	sadd.s32 $0x3800, s31;
	s8 =	sshrl.u32 s8, $0x3;
	(pc) =	sbr.rel .LBB2_1-.Ltmp0, $4  }
0xf: {  	s6 =	sadd.s32 s6, s5;
	s9 =	sadd.s32 s9, s11;
	s13 =	sshrl.u32 s15, $0x3  }
0x10: {  	s15 =	simm.s32 $0x3400;
	s12 =	sadd.s32 s8, s5;
	s5 =	sadd.s32 $0x33E00, s6  }
0x11: {  	s6 =	sor.u32 $0x1C02, s29;
	s8 =	sadd.s32 s10, s30;
	s10 =	sadd.s32 s10, s11  }
0x12: {  	s11 =	sadd.s32 $0x5B600, s12;
	s12 =	smax.u32 s14, $0x1;
	s14 =	simm.s32 $0x2  }
.LBB2_7:
0x13: {  	s19 =	sshra.s32 s19, $0x2;
	[sflag:s14] =	ssyncadd.s32 $0xFFFFC000  }
0x14: {  	[tilespmem:s17], [sflag:$0x1] =	stream.indirect.gather [hbm4b:s4+s16], $0x80, s19, s16, $0xb8;
	[tilespmem:$0x1E400] =	vst v63  }
0x15: {  	_ =	swait.ge [sflag:s18], $0x4000  }
0x16: {  	[sflag:s18] =	ssyncset.done $0x0  }
0x17: {  	s19 =	sadd.s32 $0x3400, s19;
	[sflag:s18] =	ssyncadd.s32 $0xFFFFC000  }
0x18: {  	[spmem:s2] =	stream.indirect.scatter.add.f32 [tilespmem:s17], [sflag:$0x2], $0x80, s19, s16, $0xb8;
	[tilespmem:$0x1E400] =	vst v63  }
0x19: {  	_ =	swait.ge [sflag:s14], $0x4000  }
0x1a: {  	[sflag:s14] =	ssyncset.done $0x0  }
0x1b: {  	[sflag:s14] =	ssyncadd.s32 $0xFFFFC000  }
.LBB2_8:
0x1c: {  	s3 =	sadd.s32 $0x1, s3  }
0x1d: {  	p1 =	sne.s32 s3, s12  }
.Ltmp1:
0x1e: {  	[bflag:$0x0] =	sbarrier.arrive $0xFFFF;
	(pc) =	sbr.rel @!p1 .LBB2_9-.Ltmp1, $4  }
0x1f: {  	[hbm:s11], [sflag:s6] =	dma.local [spmem:s13], $0x2780  }
0x20: {  	_ =	swait.ge [sflag:s14], $0x2780  }
0x21: {  	[sflag:s14] =	ssyncset.done $0x0  }
0x22: {  	[sflag:s14] =	ssyncadd.s32 $0xFFFFD880  }
.LBB2_1:
.Ltmp2:
0x23: {  	(pc) =	sbr.rel @!p0 .LBB2_2-.Ltmp2, $4  }
0x24: {  	[spmem:s13], [sflag:s6] =	dma.local [hbm:s5], $0x2780  }
0x25: {  	_ =	swait.ge [sflag:s14], $0x2780  }
0x26: {  	[sflag:s14] =	ssyncset.done $0x0  }
0x27: {  	s19 =	simm.s32 $0x0;
	[sflag:s14] =	ssyncadd.s32 $0xFFFFD880  }
0x28: {  	[tilespmem:s19], [sflag:$0x2] =	stream.linear.gather [hbm4b:s9+s19], $0x3400, $0x38;
	[tilespmem:$0x1E400] =	vst v63  }
0x29: {  	_ =	swait.ge [sflag:s14], $0x3400  }
0x2a: {  	[sflag:s14] =	ssyncset.done $0x0  }
0x2b: {  	[sflag:s14] =	ssyncadd.s32 $0xFFFFCC00  }
0x2c: {  	[tilespmem:s15], [sflag:$0x2] =	stream.linear.gather [hbm4b:s10+s19], $0x3400, $0x38;
	[tilespmem:$0x1E400] =	vst v63  }
0x2d: {  	_ =	swait.ge [sflag:s14], $0x3400  }
0x2e: {  	[sflag:s14] =	ssyncset.done $0x0  }
0x2f: {  	[sflag:s14] =	ssyncadd.s32 $0xFFFFCC00  }
0x30: {  	s30 =	simm.s32 $0x0;
	[bflag:$0x0] =	sbarrier.arrive $0xFFFF  }
0x31: {  	[tilespmem:s17], [sflag:$0x1] =	stream.indirect.gather [hbm4b:s4+s16], $0x80, s30, s16, $0xb8;
	[tilespmem:$0x1E400] =	vst v63  }
0x32: {  	_ =	swait.ge [sflag:s18], $0x4000  }
0x33: {  	[sflag:s18] =	ssyncset.done $0x0  }
0x34: {  	s31 =	simm.s32 $0x3400;
	[sflag:s18] =	ssyncadd.s32 $0xFFFFC000  }
0x35: {  	[spmem:s2] =	stream.indirect.scatter.add.f32 [tilespmem:s17], [sflag:$0x2], $0x80, s31, s16, $0xb8;
	[tilespmem:$0x1E400] =	vst v63  }
0x36: {  	_ =	swait.ge [sflag:s14], $0x4000  }
0x37: {  	s20 =	simm.s32 $0x400;
	s19 =	simm.s32 $0x200;
	[sflag:s14] =	ssyncset.done $0x0  }
.LBB2_6:
0x38: {  	s21 =	sshra.s32 s19, $0x2  }
0x39: {  	[sflag:s14] =	ssyncadd.s32 $0xFFFFC000;
	s19 =	smov.u32 s20;
	s22 =	sadd.s32 $0x200, s20  }
0x3a: {  	[tilespmem:s17], [sflag:$0x1] =	stream.indirect.gather [hbm4b:s4+s16], $0x80, s21, s16, $0xb8;
	[tilespmem:$0x1E400] =	vst v63  }
0x3b: {  	p1 =	sne.s32 s20, $0xCE00;
	_ =	swait.ge [sflag:s18], $0x4000  }
.Ltmp3:
0x3c: {  	[sflag:s18] =	ssyncset.done $0x0;
	(pc) =	sbr.rel @p1 .LBB2_6-.Ltmp3, $4  }
0x3d: {  	s20 =	sadd.s32 $0x3400, s21;
	[sflag:s18] =	ssyncadd.s32 $0xFFFFC000  }
0x3e: {  	[spmem:s2] =	stream.indirect.scatter.add.f32 [tilespmem:s17], [sflag:$0x2], $0x80, s20, s16, $0xb8;
	[tilespmem:$0x1E400] =	vst v63  }
0x3f: {  	_ =	swait.ge [sflag:s14], $0x4000  }
0x40: {  	s20 =	smov.u32 s22;
	[sflag:s14] =	ssyncset.done $0x0  }
.Ltmp4:
0x41: {  	_ = 	snop;
	(pc) =	sbr.rel .LBB2_7-.Ltmp4, $1  }
0x42: {  	_ =	sdelay $0x3  }
.LBB2_2:
0x43: {  	[tilespmem:s19], [sflag:$0x2] =	stream.linear.gather [hbm4b:s7+s19], $0x1C00, $0x38;
	[tilespmem:$0x1E400] =	vst v63  }
0x44: {  	_ =	swait.ge [sflag:s14], $0x1C00  }
0x45: {  	[sflag:s14] =	ssyncset.done $0x0  }
0x46: {  	[sflag:s14] =	ssyncadd.s32 $0xFFFFE400  }
0x47: {  	[tilespmem:s15], [sflag:$0x2] =	stream.linear.gather [hbm4b:s8+s19], $0x1C00, $0x38;
	[tilespmem:$0x1E400] =	vst v63  }
0x48: {  	_ =	swait.ge [sflag:s14], $0x1C00  }
0x49: {  	[sflag:s14] =	ssyncset.done $0x0  }
0x4a: {  	[sflag:s14] =	ssyncadd.s32 $0xFFFFE400  }
0x4b: {  	s30 =	simm.s32 $0x0;
	[bflag:$0x0] =	sbarrier.arrive $0xFFFF  }
0x4c: {  	[tilespmem:s17], [sflag:$0x1] =	stream.indirect.gather [hbm4b:s4+s16], $0x80, s30, s16, $0xb8;
	[tilespmem:$0x1E400] =	vst v63  }
0x4d: {  	_ =	swait.ge [sflag:s18], $0x4000  }
0x4e: {  	[sflag:s18] =	ssyncset.done $0x0  }
0x4f: {  	s31 =	simm.s32 $0x3400;
	[sflag:s18] =	ssyncadd.s32 $0xFFFFC000  }
0x50: {  	[spmem:s2] =	stream.indirect.scatter.add.f32 [tilespmem:s17], [sflag:$0x2], $0x80, s31, s16, $0xb8;
	[tilespmem:$0x1E400] =	vst v63  }
0x51: {  	_ =	swait.ge [sflag:s14], $0x4000  }
0x52: {  	s20 =	simm.s32 $0x400;
	s19 =	simm.s32 $0x200;
	[sflag:s14] =	ssyncset.done $0x0  }
.LBB2_3:
0x53: {  	s21 =	sshra.s32 s19, $0x2  }
0x54: {  	[sflag:s14] =	ssyncadd.s32 $0xFFFFC000;
	s19 =	smov.u32 s20;
	s22 =	sadd.s32 $0x200, s20  }
0x55: {  	[tilespmem:s17], [sflag:$0x1] =	stream.indirect.gather [hbm4b:s4+s16], $0x80, s21, s16, $0xb8;
	[tilespmem:$0x1E400] =	vst v63  }
0x56: {  	p1 =	seq.s32 s20, $0x6E00;
	_ =	swait.ge [sflag:s18], $0x4000  }
.Ltmp5:
0x57: {  	[sflag:s18] =	ssyncset.done $0x0;
	(pc) =	sbr.rel @!p1 .LBB2_3-.Ltmp5, $4  }
0x58: {  	s20 =	sadd.s32 $0x3400, s21;
	[sflag:s18] =	ssyncadd.s32 $0xFFFFC000  }
0x59: {  	[spmem:s2] =	stream.indirect.scatter.add.f32 [tilespmem:s17], [sflag:$0x2], $0x80, s20, s16, $0xb8;
	[tilespmem:$0x1E400] =	vst v63  }
0x5a: {  	_ =	swait.ge [sflag:s14], $0x4000  }
0x5b: {  	s20 =	smov.u32 s22;
	[sflag:s14] =	ssyncset.done $0x0  }
0x5c: {  	s19 =	sshra.s32 s19, $0x2;
	[sflag:s14] =	ssyncadd.s32 $0xFFFFC000  }
0x5d: {  	[tilespmem:s17], [sflag:$0x1] =	stream.indirect.gather [hbm4b:s4+s16], $0x80, s19, s16, $0xb8;
	[tilespmem:$0x1E400] =	vst v63  }
0x5e: {  	_ =	swait.ge [sflag:s18], $0x4000  }
0x5f: {  	[sflag:s18] =	ssyncset.done $0x0  }
.Ltmp6:
0x60: {  	s19 =	sadd.s32 $0x3400, s19;
	[sflag:s18] =	ssyncadd.s32 $0xFFFFC000;
	(pc) =	sbr.rel .LBB2_8-.Ltmp6, $4  }
0x61: {  	[spmem:s2] =	stream.indirect.scatter.add.f32 [tilespmem:s17], [sflag:$0x2], $0x80, s19, s16, $0xb8;
	[tilespmem:$0x1E400] =	vst v63  }
0x62: {  	_ =	swait.ge [sflag:s14], $0x4000  }
0x63: {  	[sflag:s14] =	ssyncset.done $0x0  }
0x64: {  	[sflag:s14] =	ssyncadd.s32 $0xFFFFC000  }
.LBB2_9:
0x65: {  	_ =	sfence.sel $0x180000  }
0x66: {  	[bflag:$0x0] =	sbarrier.arrive $0xFFFF  }
0x67: {  	p0 =	sne.s32 s1, $0x0;
	_ =	strace $0x90000050  }
0x68: {  	s0 =	sadd.s32 @!p0 $0x100000, s0;
	[bflag:$0x2] =	sbarrier.arrive $0xFFFF  }
0x69: {  	[sflag:s0] =	ssyncadd.tile.s32 @!p0 $0x1;
	_ =	shalt  }
.Lfunc_end2:
_tile_overlayer_lowered:
.L_overlay_start_2:
0x6a: {  	(tag) =	ssettag $0x2  }
0x6b: {  	s0 =	rddreg [dreg:$0x0];
	s2 =	stileid.u32  }
0x6c: {  	s1 =	rddreg [dreg:$0x1];
	p0 =	sne.s32 s2, $0x0  }
0x6d: {  	s3 =	rddreg [dreg:$0x2];
	[bflag:$0x3] =	sbarrier.arrive $0xFFFF;
	s2 =	simm.s32 @!p0 $0x1C02  }
0x6e: {  	[timem:s3], [sflag:s2] =	dma.local @!p0 [hbm:s0], s1  }
0x6f: {  	s0 =	simm.s32 @!p0 $0x2  }
0x70: {  	_ =	swait.ge @!p0 [sflag:s0], s1  }
0x71: {  	s1 =	ssub.s32 @!p0 $0x0, s1;
	[sflag:s0] =	ssyncset.done @!p0 $0x0  }
0x72: {  	[sflag:s0] =	ssyncadd.s32 @!p0 s1  }
0x73: {  	[bflag:$0x3] =	sbarrier.arrive $0xFFFF  }
0x74: {  	_ =	shalt  }

</sc_bundles>
